<compile_context>
chip_gen: v7x
topology: tpu7x:2x2x1
jax: 0.10.2.dev20260603
libtpu: 0.0.44.dev20260713+nightly
codegen_flags: <defaults>
</compile_context>

<pallas_src>
import functools

import jax
import jax.numpy as jnp
from jax import lax
from jax.experimental import pallas as pl
from jax.experimental.pallas import tpu as pltpu
from jax.experimental.pallas import tpu_sc as plsc

N_NODES = 10000
N_EDGES = 320000
D_IN = 128
D_HID = 64
N_GRAPHS = 16

NC, NS = 2, 16
NW = NC * NS
CH = 128
NCHUNK = 80
EPT = NCHUNK * CH
EPAD = NW * EPT
NACC = 10240
RPT = NACC // NS
RB = 1024
NRB = NACC // RB


def _make_sc_segsum(with_cnt):
  mesh = plsc.VectorSubcoreMesh(
      core_axis_name="c", subcore_axis_name="s",
      num_cores=NC, num_subcores=NS)

  out_type = [jax.ShapeDtypeStruct((NC, NACC, D_HID), jnp.bfloat16)]
  scratch = [
      pltpu.VMEM((NCHUNK, CH), jnp.int32),
      pltpu.VMEM((NCHUNK, CH), jnp.int32),
      pltpu.VMEM((CH, D_HID), jnp.bfloat16),
      pltpu.VMEM((CH, D_HID), jnp.bfloat16),
      pltpu.VMEM_SHARED((NACC, D_HID), jnp.bfloat16),
      pltpu.VMEM_SHARED((NACC, D_HID), jnp.bfloat16),
      pltpu.SemaphoreType.DMA,
      pltpu.SemaphoreType.DMA,
  ]
  if with_cnt:
    out_type.append(jax.ShapeDtypeStruct((NC, NACC), jnp.float32))
    scratch += [
        pltpu.VMEM((RPT,), jnp.float32),
        pltpu.VMEM((CH,), jnp.float32),
        pltpu.VMEM_SHARED((NACC,), jnp.float32),
        pltpu.SemaphoreType.DMA,
    ]

  def body(table, src3, dst3, *rest):
    if with_cnt:
      (seg_out, cnt_out, src_v, dst_v, rows_a, rows_b, accum, table_sh,
       sem_a, sem_b, zbuf, ones_v, cnt_sh, sem_c) = rest
    else:
      (seg_out, src_v, dst_v, rows_a, rows_b, accum, table_sh,
       sem_a, sem_b) = rest
    cid = lax.axis_index("c")
    sid = lax.axis_index("s")
    wid = cid * NS + sid
    base = sid * RPT

    pltpu.async_copy(src3.at[wid], src_v, sem_a)
    pltpu.async_copy(dst3.at[wid], dst_v, sem_a)
    pltpu.async_copy(table.at[pl.ds(base, RPT)], table_sh.at[pl.ds(base, RPT)],
                     sem_a)

    zeros16 = jnp.zeros((16,), jnp.float32)
    zeros32 = jnp.zeros((32,), jnp.bfloat16)

    def zrow(r, carry):
      for k in range(D_HID // 32):
        rows_a[r, pl.ds(k * 32, 32)] = zeros32
      return carry

    lax.fori_loop(0, CH, zrow, 0)
    for k in range(RPT // CH):
      pltpu.async_copy(rows_a, accum.at[pl.ds(base + k * CH, CH)], sem_b)
    pltpu.make_async_copy(src3.at[wid], src_v, sem_a).wait()
    pltpu.make_async_copy(dst3.at[wid], dst_v, sem_a).wait()
    pltpu.make_async_copy(table.at[pl.ds(base, RPT)],
                          table_sh.at[pl.ds(base, RPT)], sem_a).wait()
    for k in range(RPT // CH):
      pltpu.make_async_copy(rows_a, accum.at[pl.ds(base + k * CH, CH)],
                            sem_b).wait()

    if with_cnt:
      ones16 = jnp.full((16,), 1.0, jnp.float32)

      def zzero(i, carry):
        zbuf[pl.ds(i * 16, 16)] = zeros16
        return carry

      lax.fori_loop(0, RPT // 16, zzero, 0)
      pltpu.sync_copy(zbuf, cnt_sh.at[pl.ds(base, RPT)])
      for k in range(CH // 16):
        ones_v[pl.ds(k * 16, 16)] = ones16

    plsc.subcore_barrier()

    def gather(c, buf, sem):
      pltpu.async_copy(table_sh.at[src_v.at[c]], buf, sem)

    def drain(c, buf, sem):
      pltpu.make_async_copy(table_sh.at[src_v.at[c]], buf, sem).wait()

    def scatter(c, buf):
      pltpu.sync_copy(buf, accum.at[dst_v.at[c]], add=True)
      if with_cnt:
        pltpu.async_copy(ones_v, cnt_sh.at[dst_v.at[c]], sem_c, add=True)

    gather(0, rows_a, sem_a)

    def step2(j, carry):
      c0 = 2 * j
      gather(c0 + 1, rows_b, sem_b)
      drain(c0, rows_a, sem_a)
      scatter(c0, rows_a)

      @pl.when(j + 1 < NCHUNK // 2)
      def _():
        gather(c0 + 2, rows_a, sem_a)

      drain(c0 + 1, rows_b, sem_b)
      scatter(c0 + 1, rows_b)
      return carry

    lax.fori_loop(0, NCHUNK // 2, step2, 0)

    if with_cnt:
      def drain_cnt(c, carry):
        pltpu.make_async_copy(ones_v, cnt_sh.at[dst_v.at[c]], sem_c).wait()
        return carry

      lax.fori_loop(0, NCHUNK, drain_cnt, 0)

    plsc.subcore_barrier()

    pltpu.sync_copy(accum.at[pl.ds(base, RPT)], seg_out.at[cid, pl.ds(base, RPT)])
    if with_cnt:
      @pl.when(sid == 0)
      def _():
        pltpu.sync_copy(cnt_sh, cnt_out.at[cid])

  return pl.kernel(
      body, out_type=out_type, mesh=mesh, scratch_types=scratch,
      compiler_params=pltpu.CompilerParams(use_tc_tiling_on_sc=False))


_sc_seg_cnt = _make_sc_segsum(True)
_sc_seg = _make_sc_segsum(False)


def _mm1_body(x_ref, w_ref, xl_ref, xr_ref):
  y = jnp.dot(x_ref[...], w_ref[...], preferred_element_type=jnp.float32)
  xl_ref[...] = y[:, :D_HID].astype(jnp.bfloat16)
  xr_ref[...] = y[:, D_HID:]


def _mm1(xpad, w1):
  return pl.pallas_call(
      _mm1_body,
      grid=(NRB,),
      in_specs=[
          pl.BlockSpec((RB, D_IN), lambda i: (i, 0)),
          pl.BlockSpec((D_IN, 2 * D_HID), lambda i: (0, 0)),
      ],
      out_specs=[
          pl.BlockSpec((RB, D_HID), lambda i: (i, 0)),
          pl.BlockSpec((RB, D_HID), lambda i: (i, 0)),
      ],
      out_shape=[
          jax.ShapeDtypeStruct((NACC, D_HID), jnp.bfloat16),
          jax.ShapeDtypeStruct((NACC, D_HID), jnp.float32),
      ],
  )(xpad, w1)


def _l2_body(seg_ref, cnt_ref, xr_ref, b1_ref, w2_ref, hl_ref, hr_ref):
  s = seg_ref[0].astype(jnp.float32) + seg_ref[1].astype(jnp.float32)
  c = jnp.maximum(cnt_ref[0] + cnt_ref[1], 1.0)
  h = jnp.maximum(s / c + b1_ref[...] + xr_ref[...], 0.0)
  y = jnp.dot(h, w2_ref[...], preferred_element_type=jnp.float32)
  hl_ref[...] = y[:, :D_HID].astype(jnp.bfloat16)
  hr_ref[...] = y[:, D_HID:]


def _l2(seg, cnt, xr, b1, w2):
  return pl.pallas_call(
      _l2_body,
      grid=(NRB,),
      in_specs=[
          pl.BlockSpec((NC, RB, D_HID), lambda i: (0, i, 0)),
          pl.BlockSpec((NC, RB, 1), lambda i: (0, i, 0)),
          pl.BlockSpec((RB, D_HID), lambda i: (i, 0)),
          pl.BlockSpec((1, D_HID), lambda i: (0, 0)),
          pl.BlockSpec((D_HID, 2 * D_HID), lambda i: (0, 0)),
      ],
      out_specs=[
          pl.BlockSpec((RB, D_HID), lambda i: (i, 0)),
          pl.BlockSpec((RB, D_HID), lambda i: (i, 0)),
      ],
      out_shape=[
          jax.ShapeDtypeStruct((NACC, D_HID), jnp.bfloat16),
          jax.ShapeDtypeStruct((NACC, D_HID), jnp.float32),
      ],
  )(seg, cnt, xr, b1, w2)


def _fin_body(seg_ref, cnt_ref, hr_ref, b2_ref, batch_ref, wf_ref, bf_ref,
              out_ref, gs_ref, gc_ref):
  i = pl.program_id(0)

  @pl.when(i == 0)
  def _():
    gs_ref[...] = jnp.zeros_like(gs_ref)
    gc_ref[...] = jnp.zeros_like(gc_ref)

  s = seg_ref[0].astype(jnp.float32) + seg_ref[1].astype(jnp.float32)
  c = jnp.maximum(cnt_ref[0] + cnt_ref[1], 1.0)
  h2 = s / c + b2_ref[...] + hr_ref[...]

  bi = batch_ref[...]
  classes = lax.broadcasted_iota(jnp.int32, (N_GRAPHS, RB), 0)
  oht = (classes == bi).astype(jnp.float32)
  gs_ref[...] += jnp.dot(oht, h2, preferred_element_type=jnp.float32)
  gc_ref[...] += jnp.dot(oht, jnp.ones((RB, 1), jnp.float32),
                         preferred_element_type=jnp.float32)

  @pl.when(i == NRB - 1)
  def _():
    g = gs_ref[...] / jnp.maximum(gc_ref[...], 1.0)
    out_ref[...] = jnp.dot(g, wf_ref[...],
                           preferred_element_type=jnp.float32) + bf_ref[...]


def _fin(seg2, cnt, hr, b2, batch2, wf, bfr):
  return pl.pallas_call(
      _fin_body,
      grid=(NRB,),
      in_specs=[
          pl.BlockSpec((NC, RB, D_HID), lambda i: (0, i, 0)),
          pl.BlockSpec((NC, RB, 1), lambda i: (0, i, 0)),
          pl.BlockSpec((RB, D_HID), lambda i: (i, 0)),
          pl.BlockSpec((1, D_HID), lambda i: (0, 0)),
          pl.BlockSpec((1, RB), lambda i: (0, i)),
          pl.BlockSpec((D_HID, 1), lambda i: (0, 0)),
          pl.BlockSpec((1, 1), lambda i: (0, 0)),
      ],
      out_specs=pl.BlockSpec((N_GRAPHS, 1), lambda i: (0, 0)),
      out_shape=jax.ShapeDtypeStruct((N_GRAPHS, 1), jnp.float32),
      scratch_shapes=[
          pltpu.VMEM((N_GRAPHS, D_HID), jnp.float32),
          pltpu.VMEM((N_GRAPHS, 1), jnp.float32),
      ],
  )(seg2, cnt, hr, b2, batch2, wf, bfr)


def kernel(x, edge_index, batch, Wl1, bl1, Wr1, Wl2, bl2, Wr2, Wf, bf):
  src = edge_index[0]
  dst = edge_index[1]
  pad = EPAD - N_EDGES
  src_p = jnp.concatenate([src, jnp.zeros((pad,), jnp.int32)])
  pad_dst = N_NODES + (jnp.arange(pad, dtype=jnp.int32) % (NACC - N_NODES))
  dst_p = jnp.concatenate([dst, pad_dst])
  src3 = src_p.reshape(NW, NCHUNK, CH)
  dst3 = dst_p.reshape(NW, NCHUNK, CH)

  xpad = jnp.pad(x, ((0, NACC - N_NODES), (0, 0)))
  batch2 = jnp.pad(batch, (0, NACC - N_NODES),
                   constant_values=N_GRAPHS).reshape(1, NACC)
  w1 = jnp.concatenate([Wl1.T, Wr1.T], axis=1)
  w2 = jnp.concatenate([Wl2.T, Wr2.T], axis=1)
  b1 = bl1.reshape(1, D_HID)
  b2 = bl2.reshape(1, D_HID)
  wf = Wf.T
  bfr = bf.reshape(1, 1)

  xl, xr = _mm1(xpad, w1)
  seg1, cnt = _sc_seg_cnt(xl, src3, dst3)
  cnt3 = cnt.reshape(NC, NACC, 1)
  hl, hr = _l2(seg1, cnt3, xr, b1, w2)
  (seg2,) = _sc_seg(hl, src3, dst3)
  return _fin(seg2, cnt3, hr, b2, batch2, wf, bfr)

# --- scband reference (transcript-rebuilt; emitter-appended) ---
"""Pipeline reference for scband-graph-sage-38104949850571 (READ-ONLY COPY).

The authoritative reference and input builder live on the scoring server;
editing this copy changes nothing except your own understanding.
"""

import jax, jax.numpy as jnp
import numpy as np

N_NODES = 10000
N_EDGES = 320000
D_IN = 128
D_HID = 64
N_GRAPHS = 16


def setup_inputs(seed: int = 0) -> dict:
    key = jax.random.key(seed)
    ks = jax.random.split(key, 12)
    x = jax.random.normal(ks[0], (N_NODES, D_IN), dtype=jnp.float32)
    edge_index = jax.random.randint(ks[1], (2, N_EDGES), 0, N_NODES, dtype=jnp.int32)
    batch = jnp.sort(jax.random.randint(ks[2], (N_NODES,), 0, N_GRAPHS, dtype=jnp.int32))
    s1 = 1.0 / np.sqrt(D_IN)
    s2 = 1.0 / np.sqrt(D_HID)
    Wl1 = jax.random.normal(ks[3], (D_HID, D_IN), dtype=jnp.float32) * s1
    bl1 = jax.random.normal(ks[4], (D_HID,), dtype=jnp.float32) * s1
    Wr1 = jax.random.normal(ks[5], (D_HID, D_IN), dtype=jnp.float32) * s1
    Wl2 = jax.random.normal(ks[6], (D_HID, D_HID), dtype=jnp.float32) * s2
    bl2 = jax.random.normal(ks[7], (D_HID,), dtype=jnp.float32) * s2
    Wr2 = jax.random.normal(ks[8], (D_HID, D_HID), dtype=jnp.float32) * s2
    Wf = jax.random.normal(ks[9], (1, D_HID), dtype=jnp.float32) * s2
    bf = jax.random.normal(ks[10], (1,), dtype=jnp.float32) * s2
    return {"x": x, "edge_index": edge_index, "batch": batch,
            "Wl1": Wl1, "bl1": bl1, "Wr1": Wr1,
            "Wl2": Wl2, "bl2": bl2, "Wr2": Wr2,
            "Wf": Wf, "bf": bf}


def _sage_conv(x, src, dst, Wl, bl, Wr, n_nodes):
    # PyG SAGEConv with mean aggregation: out = lin_l(mean_aggr) + lin_r(x)
    msgs = x[src]
    summed = jax.ops.segment_sum(msgs, dst, num_segments=n_nodes)
    cnt = jax.ops.segment_sum(jnp.ones((dst.shape[0],), dtype=x.dtype), dst, num_segments=n_nodes)
    mean = summed / jnp.maximum(cnt, 1.0)[:, None]
    return mean @ Wl.T + bl + x @ Wr.T


def reference(x, edge_index, batch, Wl1, bl1, Wr1, Wl2, bl2, Wr2, Wf, bf):
    src = edge_index[0]
    dst = edge_index[1]
    n_nodes = x.shape[0]
    # layer 1 (res=False, norm=Identity, dropout inactive in eval)
    h = _sage_conv(x, src, dst, Wl1, bl1, Wr1, n_nodes)
    h = jax.nn.relu(h)
    # layer 2 (last layer: no relu)
    h = _sage_conv(h, src, dst, Wl2, bl2, Wr2, n_nodes)
    # global mean pool over batch assignment
    gs = jax.ops.segment_sum(h, batch, num_segments=N_GRAPHS)
    gc = jax.ops.segment_sum(jnp.ones((h.shape[0],), dtype=h.dtype), batch, num_segments=N_GRAPHS)
    g = gs / jnp.maximum(gc, 1.0)[:, None]
    out = g @ Wf.T + bf
    return out

if __name__ == "__main__":
    import jax
    _d = setup_inputs()
    print(jax.jit(kernel)(*tuple(_d.values())))

</pallas_src>

<mosaic_0001>
#map = affine_map<(d0, d1) -> (0, 0)>
#map1 = affine_map<(d0, d1) -> (0, 0, 0)>
module attributes {stable_mosaic.version = 14 : i64} {
  func.func @body(%arg0: i32, %arg1: i32, %arg2: memref<10240x64xbf16, #tpu.memory_space<hbm>>, %arg3: memref<32x80x128xi32, #tpu.memory_space<hbm>>, %arg4: memref<32x80x128xi32, #tpu.memory_space<hbm>>, %arg5: memref<2x10240x64xbf16, #tpu.memory_space<hbm>>, %arg6: memref<80x128xi32, #tpu.memory_space<vmem>>, %arg7: memref<80x128xi32, #tpu.memory_space<vmem>>, %arg8: memref<128x64xbf16, #tpu.memory_space<vmem>>, %arg9: memref<128x64xbf16, #tpu.memory_space<vmem>>, %arg10: memref<10240x64xbf16, #tpu.memory_space<vmem_shared>>, %arg11: memref<10240x64xbf16, #tpu.memory_space<vmem_shared>>, %arg12: memref<!tpu.dma_semaphore, #tpu.memory_space<semaphore_mem>>, %arg13: memref<!tpu.dma_semaphore, #tpu.memory_space<semaphore_mem>>) attributes {dimension_semantics = [#tpu.dimension_semantics<core_parallel>, #tpu.dimension_semantics<subcore_parallel>], iteration_bounds = array<i64: 2, 16>, scalar_prefetch = 0 : i64, scratch_operands = 8 : i64, tpu.core_type = #tpu.core_type<sc_vector_subcore>, window_params = [{transform_indices = #map}, {transform_indices = #map1}, {transform_indices = #map1}, {transform_indices = #map1}]} {
    %mul3A = arith.constant 16 : i32
    %mul3A_0 = arith.muli %arg0, %mul3A : i32
    %add3A = arith.addi %mul3A_0, %arg1 : i32
    %mul3A_1 = arith.constant 640 : i32
    %mul3A_2 = arith.muli %arg1, %mul3A_1 : i32
    %dma_start3A = arith.constant 0 : i32
    %dma_start3A_3 = arith.constant 0 : i32
    %dma_start3A_4 = tpu.memref_slice %arg3[%add3A, %dma_start3A, %dma_start3A_3] : memref<32x80x128xi32, #tpu.memory_space<hbm>> -> memref<1x80x128xi32, #tpu.memory_space<hbm>>
    %dma_start3A_5 = tpu.memref_squeeze %dma_start3A_4 : memref<1x80x128xi32, #tpu.memory_space<hbm>> -> memref<80x128xi32, #tpu.memory_space<hbm>>
    %dma_start3A_6 = arith.constant 0 : i32
    %dma_start3A_7 = arith.constant 0 : i32
    %dma_start3A_8 = tpu.memref_slice %arg3[%add3A, %dma_start3A_6, %dma_start3A_7] : memref<32x80x128xi32, #tpu.memory_space<hbm>> -> memref<1x80x128xi32, #tpu.memory_space<hbm>>
    %dma_start3A_9 = tpu.memref_squeeze %dma_start3A_8 : memref<1x80x128xi32, #tpu.memory_space<hbm>> -> memref<80x128xi32, #tpu.memory_space<hbm>>
    tpu.enqueue_dma source(%dma_start3A_9 : memref<80x128xi32, #tpu.memory_space<hbm>>) target(%arg6 : memref<80x128xi32, #tpu.memory_space<vmem>>) target_semaphore(%arg12 : memref<!tpu.dma_semaphore, #tpu.memory_space<semaphore_mem>>)
    %dma_start3A_10 = arith.constant 0 : i32
    %dma_start3A_11 = arith.constant 0 : i32
    %dma_start3A_12 = tpu.memref_slice %arg4[%add3A, %dma_start3A_10, %dma_start3A_11] : memref<32x80x128xi32, #tpu.memory_space<hbm>> -> memref<1x80x128xi32, #tpu.memory_space<hbm>>
    %dma_start3A_13 = tpu.memref_squeeze %dma_start3A_12 : memref<1x80x128xi32, #tpu.memory_space<hbm>> -> memref<80x128xi32, #tpu.memory_space<hbm>>
    %dma_start3A_14 = arith.constant 0 : i32
    %dma_start3A_15 = arith.constant 0 : i32
    %dma_start3A_16 = tpu.memref_slice %arg4[%add3A, %dma_start3A_14, %dma_start3A_15] : memref<32x80x128xi32, #tpu.memory_space<hbm>> -> memref<1x80x128xi32, #tpu.memory_space<hbm>>
    %dma_start3A_17 = tpu.memref_squeeze %dma_start3A_16 : memref<1x80x128xi32, #tpu.memory_space<hbm>> -> memref<80x128xi32, #tpu.memory_space<hbm>>
    tpu.enqueue_dma source(%dma_start3A_17 : memref<80x128xi32, #tpu.memory_space<hbm>>) target(%arg7 : memref<80x128xi32, #tpu.memory_space<vmem>>) target_semaphore(%arg12 : memref<!tpu.dma_semaphore, #tpu.memory_space<semaphore_mem>>)
    %dma_start3A_18 = arith.constant 0 : i32
    %dma_start3A_19 = tpu.memref_slice %arg11[%mul3A_2, %dma_start3A_18] : memref<10240x64xbf16, #tpu.memory_space<vmem_shared>> -> memref<640x64xbf16, #tpu.memory_space<vmem_shared>>
    %dma_start3A_20 = arith.constant 0 : i32
    %dma_start3A_21 = tpu.memref_slice %arg2[%mul3A_2, %dma_start3A_20] : memref<10240x64xbf16, #tpu.memory_space<hbm>> -> memref<640x64xbf16, #tpu.memory_space<hbm>>
    tpu.enqueue_dma source(%dma_start3A_21 : memref<640x64xbf16, #tpu.memory_space<hbm>>) target(%dma_start3A_19 : memref<640x64xbf16, #tpu.memory_space<vmem_shared>>) target_semaphore(%arg12 : memref<!tpu.dma_semaphore, #tpu.memory_space<semaphore_mem>>)
    %broadcast_in_dim3A = arith.constant 0.000000e+00 : f32
    %broadcast_in_dim3A_22 = vector.broadcast %broadcast_in_dim3A : f32 to vector<16xf32>
    %broadcast_in_dim3A_23 = arith.constant 0.000000e+00 : bf16
    %broadcast_in_dim3A_24 = vector.broadcast %broadcast_in_dim3A_23 : bf16 to vector<32xbf16>
    %scan3A = arith.constant 0 : i32
    %scan3A_25 = arith.constant 0 : i32
    %scan3A_26 = arith.constant 128 : i32
    %scan3A_27 = arith.addi %scan3A_25, %scan3A_26 : i32
    %scan3A_28 = arith.constant 1 : i32
    scf.for %scan3A_123 = %scan3A_25 to %scan3A_27 step %scan3A_28  : i32 {
      %swap3A = arith.index_cast %scan3A_123 : i32 to index
      %swap3A_124 = arith.constant 0 : index
      %swap3A_125 = tpu.vector_load %arg8[%swap3A, %swap3A_124] {strides = array<i32>} : memref<128x64xbf16, #tpu.memory_space<vmem>>, vector<1x32xbf16>,
      %swap3A_126 = vector.shape_cast %swap3A_125 : vector<1x32xbf16> to vector<32xbf16>
      %swap3A_127 = vector.shape_cast %broadcast_in_dim3A_24 : vector<32xbf16> to vector<1x32xbf16>
      tpu.vector_store %arg8[%swap3A, %swap3A_124], %swap3A_127 {strides = array<i32>} : memref<128x64xbf16, #tpu.memory_space<vmem>>, vector<1x32xbf16>,
      %swap3A_128 = arith.index_cast %scan3A_123 : i32 to index
      %swap3A_129 = arith.constant 32 : index
      %swap3A_130 = tpu.vector_load %arg8[%swap3A_128, %swap3A_129] {strides = array<i32>} : memref<128x64xbf16, #tpu.memory_space<vmem>>, vector<1x32xbf16>,
      %swap3A_131 = vector.shape_cast %swap3A_130 : vector<1x32xbf16> to vector<32xbf16>
      %swap3A_132 = vector.shape_cast %broadcast_in_dim3A_24 : vector<32xbf16> to vector<1x32xbf16>
      tpu.vector_store %arg8[%swap3A_128, %swap3A_129], %swap3A_132 {strides = array<i32>} : memref<128x64xbf16, #tpu.memory_space<vmem>>, vector<1x32xbf16>,
    }
    %scan3A_29 = arith.constant 128 : i32
    %add3A_30 = arith.constant 0 : i32
    %add3A_31 = arith.addi %mul3A_2, %add3A_30 : i32
    %dma_start3A_32 = arith.constant 0 : i32
    %dma_start3A_33 = tpu.memref_slice %arg10[%add3A_31, %dma_start3A_32] : memref<10240x64xbf16, #tpu.memory_space<vmem_shared>> -> memref<128x64xbf16, #tpu.memory_space<vmem_shared>>
    %dma_start3A_34 = arith.constant 0 : i32
    %dma_start3A_35 = tpu.memref_slice %arg10[%add3A_31, %dma_start3A_34] : memref<10240x64xbf16, #tpu.memory_space<vmem_shared>> -> memref<128x64xbf16, #tpu.memory_space<vmem_shared>>
    tpu.enqueue_dma source(%arg8 : memref<128x64xbf16, #tpu.memory_space<vmem>>) target(%dma_start3A_35 : memref<128x64xbf16, #tpu.memory_space<vmem_shared>>) target_semaphore(%arg13 : memref<!tpu.dma_semaphore, #tpu.memory_space<semaphore_mem>>)
    %add3A_36 = arith.constant 128 : i32
    %add3A_37 = arith.addi %mul3A_2, %add3A_36 : i32
    %dma_start3A_38 = arith.constant 0 : i32
    %dma_start3A_39 = tpu.memref_slice %arg10[%add3A_37, %dma_start3A_38] : memref<10240x64xbf16, #tpu.memory_space<vmem_shared>> -> memref<128x64xbf16, #tpu.memory_space<vmem_shared>>
    %dma_start3A_40 = arith.constant 0 : i32
    %dma_start3A_41 = tpu.memref_slice %arg10[%add3A_37, %dma_start3A_40] : memref<10240x64xbf16, #tpu.memory_space<vmem_shared>> -> memref<128x64xbf16, #tpu.memory_space<vmem_shared>>
    tpu.enqueue_dma source(%arg8 : memref<128x64xbf16, #tpu.memory_space<vmem>>) target(%dma_start3A_41 : memref<128x64xbf16, #tpu.memory_space<vmem_shared>>) target_semaphore(%arg13 : memref<!tpu.dma_semaphore, #tpu.memory_space<semaphore_mem>>)
    %add3A_42 = arith.constant 256 : i32
    %add3A_43 = arith.addi %mul3A_2, %add3A_42 : i32
    %dma_start3A_44 = arith.constant 0 : i32
    %dma_start3A_45 = tpu.memref_slice %arg10[%add3A_43, %dma_start3A_44] : memref<10240x64xbf16, #tpu.memory_space<vmem_shared>> -> memref<128x64xbf16, #tpu.memory_space<vmem_shared>>
    %dma_start3A_46 = arith.constant 0 : i32
    %dma_start3A_47 = tpu.memref_slice %arg10[%add3A_43, %dma_start3A_46] : memref<10240x64xbf16, #tpu.memory_space<vmem_shared>> -> memref<128x64xbf16, #tpu.memory_space<vmem_shared>>
    tpu.enqueue_dma source(%arg8 : memref<128x64xbf16, #tpu.memory_space<vmem>>) target(%dma_start3A_47 : memref<128x64xbf16, #tpu.memory_space<vmem_shared>>) target_semaphore(%arg13 : memref<!tpu.dma_semaphore, #tpu.memory_space<semaphore_mem>>)
    %add3A_48 = arith.constant 384 : i32
    %add3A_49 = arith.addi %mul3A_2, %add3A_48 : i32
    %dma_start3A_50 = arith.constant 0 : i32
    %dma_start3A_51 = tpu.memref_slice %arg10[%add3A_49, %dma_start3A_50] : memref<10240x64xbf16, #tpu.memory_space<vmem_shared>> -> memref<128x64xbf16, #tpu.memory_space<vmem_shared>>
    %dma_start3A_52 = arith.constant 0 : i32
    %dma_start3A_53 = tpu.memref_slice %arg10[%add3A_49, %dma_start3A_52] : memref<10240x64xbf16, #tpu.memory_space<vmem_shared>> -> memref<128x64xbf16, #tpu.memory_space<vmem_shared>>
    tpu.enqueue_dma source(%arg8 : memref<128x64xbf16, #tpu.memory_space<vmem>>) target(%dma_start3A_53 : memref<128x64xbf16, #tpu.memory_space<vmem_shared>>) target_semaphore(%arg13 : memref<!tpu.dma_semaphore, #tpu.memory_space<semaphore_mem>>)
    %add3A_54 = arith.constant 512 : i32
    %add3A_55 = arith.addi %mul3A_2, %add3A_54 : i32
    %dma_start3A_56 = arith.constant 0 : i32
    %dma_start3A_57 = tpu.memref_slice %arg10[%add3A_55, %dma_start3A_56] : memref<10240x64xbf16, #tpu.memory_space<vmem_shared>> -> memref<128x64xbf16, #tpu.memory_space<vmem_shared>>
    %dma_start3A_58 = arith.constant 0 : i32
    %dma_start3A_59 = tpu.memref_slice %arg10[%add3A_55, %dma_start3A_58] : memref<10240x64xbf16, #tpu.memory_space<vmem_shared>> -> memref<128x64xbf16, #tpu.memory_space<vmem_shared>>
    tpu.enqueue_dma source(%arg8 : memref<128x64xbf16, #tpu.memory_space<vmem>>) target(%dma_start3A_59 : memref<128x64xbf16, #tpu.memory_space<vmem_shared>>) target_semaphore(%arg13 : memref<!tpu.dma_semaphore, #tpu.memory_space<semaphore_mem>>)
    %dma_wait3A = arith.constant 0 : i32
    %dma_wait3A_60 = arith.constant 0 : i32
    %dma_wait3A_61 = tpu.memref_slice %arg3[%add3A, %dma_wait3A, %dma_wait3A_60] : memref<32x80x128xi32, #tpu.memory_space<hbm>> -> memref<1x80x128xi32, #tpu.memory_space<hbm>>
    %dma_wait3A_62 = tpu.memref_squeeze %dma_wait3A_61 : memref<1x80x128xi32, #tpu.memory_space<hbm>> -> memref<80x128xi32, #tpu.memory_space<hbm>>
    %dma_wait3A_63 = arith.constant 0 : i32
    %dma_wait3A_64 = arith.constant 0 : i32
    %dma_wait3A_65 = tpu.memref_slice %arg3[%add3A, %dma_wait3A_63, %dma_wait3A_64] : memref<32x80x128xi32, #tpu.memory_space<hbm>> -> memref<1x80x128xi32, #tpu.memory_space<hbm>>
    %dma_wait3A_66 = tpu.memref_squeeze %dma_wait3A_65 : memref<1x80x128xi32, #tpu.memory_space<hbm>> -> memref<80x128xi32, #tpu.memory_space<hbm>>
    tpu.wait_dma2 semaphore(%arg12 : memref<!tpu.dma_semaphore, #tpu.memory_space<semaphore_mem>>) src(%dma_wait3A_66 : memref<80x128xi32, #tpu.memory_space<hbm>>) dst(%arg6 : memref<80x128xi32, #tpu.memory_space<vmem>>)
    %dma_wait3A_67 = arith.constant 0 : i32
    %dma_wait3A_68 = arith.constant 0 : i32
    %dma_wait3A_69 = tpu.memref_slice %arg4[%add3A, %dma_wait3A_67, %dma_wait3A_68] : memref<32x80x128xi32, #tpu.memory_space<hbm>> -> memref<1x80x128xi32, #tpu.memory_space<hbm>>
    %dma_wait3A_70 = tpu.memref_squeeze %dma_wait3A_69 : memref<1x80x128xi32, #tpu.memory_space<hbm>> -> memref<80x128xi32, #tpu.memory_space<hbm>>
    %dma_wait3A_71 = arith.constant 0 : i32
    %dma_wait3A_72 = arith.constant 0 : i32
    %dma_wait3A_73 = tpu.memref_slice %arg4[%add3A, %dma_wait3A_71, %dma_wait3A_72] : memref<32x80x128xi32, #tpu.memory_space<hbm>> -> memref<1x80x128xi32, #tpu.memory_space<hbm>>
    %dma_wait3A_74 = tpu.memref_squeeze %dma_wait3A_73 : memref<1x80x128xi32, #tpu.memory_space<hbm>> -> memref<80x128xi32, #tpu.memory_space<hbm>>
    tpu.wait_dma2 semaphore(%arg12 : memref<!tpu.dma_semaphore, #tpu.memory_space<semaphore_mem>>) src(%dma_wait3A_74 : memref<80x128xi32, #tpu.memory_space<hbm>>) dst(%arg7 : memref<80x128xi32, #tpu.memory_space<vmem>>)
    %dma_wait3A_75 = arith.constant 0 : i32
    %dma_wait3A_76 = tpu.memref_slice %arg11[%mul3A_2, %dma_wait3A_75] : memref<10240x64xbf16, #tpu.memory_space<vmem_shared>> -> memref<640x64xbf16, #tpu.memory_space<vmem_shared>>
    %dma_wait3A_77 = arith.constant 0 : i32
    %dma_wait3A_78 = tpu.memref_slice %arg2[%mul3A_2, %dma_wait3A_77] : memref<10240x64xbf16, #tpu.memory_space<hbm>> -> memref<640x64xbf16, #tpu.memory_space<hbm>>
    tpu.wait_dma2 semaphore(%arg12 : memref<!tpu.dma_semaphore, #tpu.memory_space<semaphore_mem>>) src(%dma_wait3A_78 : memref<640x64xbf16, #tpu.memory_space<hbm>>) dst(%dma_wait3A_76 : memref<640x64xbf16, #tpu.memory_space<vmem_shared>>)
    %add3A_79 = arith.constant 0 : i32
    %add3A_80 = arith.addi %mul3A_2, %add3A_79 : i32
    %dma_wait3A_81 = arith.constant 0 : i32
    %dma_wait3A_82 = tpu.memref_slice %arg10[%add3A_80, %dma_wait3A_81] : memref<10240x64xbf16, #tpu.memory_space<vmem_shared>> -> memref<128x64xbf16, #tpu.memory_space<vmem_shared>>
    %dma_wait3A_83 = arith.constant 0 : i32
    %dma_wait3A_84 = tpu.memref_slice %arg10[%add3A_80, %dma_wait3A_83] : memref<10240x64xbf16, #tpu.memory_space<vmem_shared>> -> memref<128x64xbf16, #tpu.memory_space<vmem_shared>>
    tpu.wait_dma2 semaphore(%arg13 : memref<!tpu.dma_semaphore, #tpu.memory_space<semaphore_mem>>) src(%arg8 : memref<128x64xbf16, #tpu.memory_space<vmem>>) dst(%dma_wait3A_84 : memref<128x64xbf16, #tpu.memory_space<vmem_shared>>)
    %add3A_85 = arith.constant 128 : i32
    %add3A_86 = arith.addi %mul3A_2, %add3A_85 : i32
    %dma_wait3A_87 = arith.constant 0 : i32
    %dma_wait3A_88 = tpu.memref_slice %arg10[%add3A_86, %dma_wait3A_87] : memref<10240x64xbf16, #tpu.memory_space<vmem_shared>> -> memref<128x64xbf16, #tpu.memory_space<vmem_shared>>
    %dma_wait3A_89 = arith.constant 0 : i32
    %dma_wait3A_90 = tpu.memref_slice %arg10[%add3A_86, %dma_wait3A_89] : memref<10240x64xbf16, #tpu.memory_space<vmem_shared>> -> memref<128x64xbf16, #tpu.memory_space<vmem_shared>>
    tpu.wait_dma2 semaphore(%arg13 : memref<!tpu.dma_semaphore, #tpu.memory_space<semaphore_mem>>) src(%arg8 : memref<128x64xbf16, #tpu.memory_space<vmem>>) dst(%dma_wait3A_90 : memref<128x64xbf16, #tpu.memory_space<vmem_shared>>)
    %add3A_91 = arith.constant 256 : i32
    %add3A_92 = arith.addi %mul3A_2, %add3A_91 : i32
    %dma_wait3A_93 = arith.constant 0 : i32
    %dma_wait3A_94 = tpu.memref_slice %arg10[%add3A_92, %dma_wait3A_93] : memref<10240x64xbf16, #tpu.memory_space<vmem_shared>> -> memref<128x64xbf16, #tpu.memory_space<vmem_shared>>
    %dma_wait3A_95 = arith.constant 0 : i32
    %dma_wait3A_96 = tpu.memref_slice %arg10[%add3A_92, %dma_wait3A_95] : memref<10240x64xbf16, #tpu.memory_space<vmem_shared>> -> memref<128x64xbf16, #tpu.memory_space<vmem_shared>>
    tpu.wait_dma2 semaphore(%arg13 : memref<!tpu.dma_semaphore, #tpu.memory_space<semaphore_mem>>) src(%arg8 : memref<128x64xbf16, #tpu.memory_space<vmem>>) dst(%dma_wait3A_96 : memref<128x64xbf16, #tpu.memory_space<vmem_shared>>)
    %add3A_97 = arith.constant 384 : i32
    %add3A_98 = arith.addi %mul3A_2, %add3A_97 : i32
    %dma_wait3A_99 = arith.constant 0 : i32
    %dma_wait3A_100 = tpu.memref_slice %arg10[%add3A_98, %dma_wait3A_99] : memref<10240x64xbf16, #tpu.memory_space<vmem_shared>> -> memref<128x64xbf16, #tpu.memory_space<vmem_shared>>
    %dma_wait3A_101 = arith.constant 0 : i32
    %dma_wait3A_102 = tpu.memref_slice %arg10[%add3A_98, %dma_wait3A_101] : memref<10240x64xbf16, #tpu.memory_space<vmem_shared>> -> memref<128x64xbf16, #tpu.memory_space<vmem_shared>>
    tpu.wait_dma2 semaphore(%arg13 : memref<!tpu.dma_semaphore, #tpu.memory_space<semaphore_mem>>) src(%arg8 : memref<128x64xbf16, #tpu.memory_space<vmem>>) dst(%dma_wait3A_102 : memref<128x64xbf16, #tpu.memory_space<vmem_shared>>)
    %add3A_103 = arith.constant 512 : i32
    %add3A_104 = arith.addi %mul3A_2, %add3A_103 : i32
    %dma_wait3A_105 = arith.constant 0 : i32
    %dma_wait3A_106 = tpu.memref_slice %arg10[%add3A_104, %dma_wait3A_105] : memref<10240x64xbf16, #tpu.memory_space<vmem_shared>> -> memref<128x64xbf16, #tpu.memory_space<vmem_shared>>
    %dma_wait3A_107 = arith.constant 0 : i32
    %dma_wait3A_108 = tpu.memref_slice %arg10[%add3A_104, %dma_wait3A_107] : memref<10240x64xbf16, #tpu.memory_space<vmem_shared>> -> memref<128x64xbf16, #tpu.memory_space<vmem_shared>>
    tpu.wait_dma2 semaphore(%arg13 : memref<!tpu.dma_semaphore, #tpu.memory_space<semaphore_mem>>) src(%arg8 : memref<128x64xbf16, #tpu.memory_space<vmem>>) dst(%dma_wait3A_108 : memref<128x64xbf16, #tpu.memory_space<vmem_shared>>)
    %barrier3A = arith.constant 0 : index
    tpu.barrier barrier_id(%barrier3A)
    %dma_start3A_109 = arith.constant 0 : i32
    %dma_start3A_110 = arith.constant 0 : i32
    %dma_start3A_111 = tpu.memref_slice %arg6[%dma_start3A_109, %dma_start3A_110] : memref<80x128xi32, #tpu.memory_space<vmem>> -> memref<1x128xi32, #tpu.memory_space<vmem>>
    %dma_start3A_112 = tpu.memref_squeeze %dma_start3A_111 : memref<1x128xi32, #tpu.memory_space<vmem>> -> memref<128xi32, #tpu.memory_space<vmem>>
    %dma_start3A_113 = arith.constant 0 : i32
    %dma_start3A_114 = arith.constant 0 : i32
    %dma_start3A_115 = tpu.memref_slice %arg11[%dma_start3A_113, %dma_start3A_114] : memref<10240x64xbf16, #tpu.memory_space<vmem_shared>> -> memref<10240x64xbf16, #tpu.memory_space<vmem_shared>>
    tpu.enqueue_indirect_dma source(%dma_start3A_115 : memref<10240x64xbf16, #tpu.memory_space<vmem_shared>>) target(%arg8 : memref<128x64xbf16, #tpu.memory_space<vmem>>) offsets(%dma_start3A_112 : memref<128xi32, #tpu.memory_space<vmem>>) semaphore(%arg12 : memref<!tpu.dma_semaphore, #tpu.memory_space<semaphore_mem>>)
    %scan3A_116 = arith.constant 0 : i32
    %scan3A_117 = arith.constant 0 : i32
    %scan3A_118 = arith.constant 40 : i32
    %scan3A_119 = arith.addi %scan3A_117, %scan3A_118 : i32
    %scan3A_120 = arith.constant 1 : i32
    scf.for %scan3A_123 = %scan3A_117 to %scan3A_119 step %scan3A_120  : i32 {
      %mul3A_124 = arith.constant 2 : i32
      %mul3A_125 = arith.muli %mul3A_124, %scan3A_123 : i32
      %add3A_126 = arith.constant 1 : i32
      %add3A_127 = arith.addi %mul3A_125, %add3A_126 : i32
      %dma_start3A_128 = arith.constant 0 : i32
      %dma_start3A_129 = tpu.memref_slice %arg6[%add3A_127, %dma_start3A_128] : memref<80x128xi32, #tpu.memory_space<vmem>> -> memref<1x128xi32, #tpu.memory_space<vmem>>
      %dma_start3A_130 = tpu.memref_squeeze %dma_start3A_129 : memref<1x128xi32, #tpu.memory_space<vmem>> -> memref<128xi32, #tpu.memory_space<vmem>>
      %dma_start3A_131 = arith.constant 0 : i32
      %dma_start3A_132 = arith.constant 0 : i32
      %dma_start3A_133 = tpu.memref_slice %arg11[%dma_start3A_131, %dma_start3A_132] : memref<10240x64xbf16, #tpu.memory_space<vmem_shared>> -> memref<10240x64xbf16, #tpu.memory_space<vmem_shared>>
      tpu.enqueue_indirect_dma source(%dma_start3A_133 : memref<10240x64xbf16, #tpu.memory_space<vmem_shared>>) target(%arg9 : memref<128x64xbf16, #tpu.memory_space<vmem>>) offsets(%dma_start3A_130 : memref<128xi32, #tpu.memory_space<vmem>>) semaphore(%arg13 : memref<!tpu.dma_semaphore, #tpu.memory_space<semaphore_mem>>)
      %dma_wait3A_134 = arith.constant 0 : i32
      %dma_wait3A_135 = tpu.memref_slice %arg6[%mul3A_125, %dma_wait3A_134] : memref<80x128xi32, #tpu.memory_space<vmem>> -> memref<1x128xi32, #tpu.memory_space<vmem>>
      %dma_wait3A_136 = tpu.memref_squeeze %dma_wait3A_135 : memref<1x128xi32, #tpu.memory_space<vmem>> -> memref<128xi32, #tpu.memory_space<vmem>>
      %dma_wait3A_137 = arith.constant 0 : i32
      %dma_wait3A_138 = arith.constant 0 : i32
      %dma_wait3A_139 = tpu.memref_slice %arg11[%dma_wait3A_137, %dma_wait3A_138] : memref<10240x64xbf16, #tpu.memory_space<vmem_shared>> -> memref<10240x64xbf16, #tpu.memory_space<vmem_shared>>
      tpu.wait_indirect_dma semaphore(%arg12 : memref<!tpu.dma_semaphore, #tpu.memory_space<semaphore_mem>>) src(%dma_wait3A_139 : memref<10240x64xbf16, #tpu.memory_space<vmem_shared>>) dst(%arg8 : memref<128x64xbf16, #tpu.memory_space<vmem>>)
      "tpu.region"() ({
        %run_scoped3A = tpu.sem_alloc : memref<!tpu.dma_semaphore, #tpu.memory_space<semaphore_mem>>
        %dma_start3A_154 = arith.constant 0 : i32
        %dma_start3A_155 = tpu.memref_slice %arg7[%mul3A_125, %dma_start3A_154] : memref<80x128xi32, #tpu.memory_space<vmem>> -> memref<1x128xi32, #tpu.memory_space<vmem>>
        %dma_start3A_156 = tpu.memref_squeeze %dma_start3A_155 : memref<1x128xi32, #tpu.memory_space<vmem>> -> memref<128xi32, #tpu.memory_space<vmem>>
        %dma_start3A_157 = arith.constant 0 : i32
        %dma_start3A_158 = arith.constant 0 : i32
        %dma_start3A_159 = tpu.memref_slice %arg10[%dma_start3A_157, %dma_start3A_158] : memref<10240x64xbf16, #tpu.memory_space<vmem_shared>> -> memref<10240x64xbf16, #tpu.memory_space<vmem_shared>>
        tpu.enqueue_indirect_dma source(%arg8 : memref<128x64xbf16, #tpu.memory_space<vmem>>) target(%dma_start3A_159 : memref<10240x64xbf16, #tpu.memory_space<vmem_shared>>) offsets(%dma_start3A_156 : memref<128xi32, #tpu.memory_space<vmem>>) semaphore(%run_scoped3A : memref<!tpu.dma_semaphore, #tpu.memory_space<semaphore_mem>>) {add = true}
        %dma_wait3A_160 = arith.constant 0 : i32
        %dma_wait3A_161 = tpu.memref_slice %arg7[%mul3A_125, %dma_wait3A_160] : memref<80x128xi32, #tpu.memory_space<vmem>> -> memref<1x128xi32, #tpu.memory_space<vmem>>
        %dma_wait3A_162 = tpu.memref_squeeze %dma_wait3A_161 : memref<1x128xi32, #tpu.memory_space<vmem>> -> memref<128xi32, #tpu.memory_space<vmem>>
        %dma_wait3A_163 = arith.constant 0 : i32
        %dma_wait3A_164 = arith.constant 0 : i32
        %dma_wait3A_165 = tpu.memref_slice %arg10[%dma_wait3A_163, %dma_wait3A_164] : memref<10240x64xbf16, #tpu.memory_space<vmem_shared>> -> memref<10240x64xbf16, #tpu.memory_space<vmem_shared>>
        tpu.wait_indirect_dma semaphore(%run_scoped3A : memref<!tpu.dma_semaphore, #tpu.memory_space<semaphore_mem>>) src(%arg8 : memref<128x64xbf16, #tpu.memory_space<vmem>>) dst(%dma_wait3A_165 : memref<10240x64xbf16, #tpu.memory_space<vmem_shared>>)
        tpu.yield
      }) : () -> ()
      %add3A_140 = arith.constant 1 : i32
      %add3A_141 = arith.addi %scan3A_123, %add3A_140 : i32
      %lt3A = arith.constant 40 : i32
      %lt3A_142 = arith.cmpi slt, %add3A_141, %lt3A : i32
      %convert_element_type3A = arith.extui %lt3A_142 : i1 to i32
      %cond3A = arith.constant 0 : i32
      %cond3A_143 = arith.cmpi ne, %convert_element_type3A, %cond3A : i32
      scf.if %cond3A_143 {
        %add3A_154 = arith.constant 2 : i32
        %add3A_155 = arith.addi %mul3A_125, %add3A_154 : i32
        %dma_start3A_156 = arith.constant 0 : i32
        %dma_start3A_157 = tpu.memref_slice %arg6[%add3A_155, %dma_start3A_156] : memref<80x128xi32, #tpu.memory_space<vmem>> -> memref<1x128xi32, #tpu.memory_space<vmem>>
        %dma_start3A_158 = tpu.memref_squeeze %dma_start3A_157 : memref<1x128xi32, #tpu.memory_space<vmem>> -> memref<128xi32, #tpu.memory_space<vmem>>
        %dma_start3A_159 = arith.constant 0 : i32
        %dma_start3A_160 = arith.constant 0 : i32
        %dma_start3A_161 = tpu.memref_slice %arg11[%dma_start3A_159, %dma_start3A_160] : memref<10240x64xbf16, #tpu.memory_space<vmem_shared>> -> memref<10240x64xbf16, #tpu.memory_space<vmem_shared>>
        tpu.enqueue_indirect_dma source(%dma_start3A_161 : memref<10240x64xbf16, #tpu.memory_space<vmem_shared>>) target(%arg8 : memref<128x64xbf16, #tpu.memory_space<vmem>>) offsets(%dma_start3A_158 : memref<128xi32, #tpu.memory_space<vmem>>) semaphore(%arg12 : memref<!tpu.dma_semaphore, #tpu.memory_space<semaphore_mem>>)
      } else {
      }
      %add3A_144 = arith.constant 1 : i32
      %add3A_145 = arith.addi %mul3A_125, %add3A_144 : i32
      %dma_wait3A_146 = arith.constant 0 : i32
      %dma_wait3A_147 = tpu.memref_slice %arg6[%add3A_145, %dma_wait3A_146] : memref<80x128xi32, #tpu.memory_space<vmem>> -> memref<1x128xi32, #tpu.memory_space<vmem>>
      %dma_wait3A_148 = tpu.memref_squeeze %dma_wait3A_147 : memref<1x128xi32, #tpu.memory_space<vmem>> -> memref<128xi32, #tpu.memory_space<vmem>>
      %dma_wait3A_149 = arith.constant 0 : i32
      %dma_wait3A_150 = arith.constant 0 : i32
      %dma_wait3A_151 = tpu.memref_slice %arg11[%dma_wait3A_149, %dma_wait3A_150] : memref<10240x64xbf16, #tpu.memory_space<vmem_shared>> -> memref<10240x64xbf16, #tpu.memory_space<vmem_shared>>
      tpu.wait_indirect_dma semaphore(%arg13 : memref<!tpu.dma_semaphore, #tpu.memory_space<semaphore_mem>>) src(%dma_wait3A_151 : memref<10240x64xbf16, #tpu.memory_space<vmem_shared>>) dst(%arg9 : memref<128x64xbf16, #tpu.memory_space<vmem>>)
      %add3A_152 = arith.constant 1 : i32
      %add3A_153 = arith.addi %mul3A_125, %add3A_152 : i32
      "tpu.region"() ({
        %run_scoped3A = tpu.sem_alloc : memref<!tpu.dma_semaphore, #tpu.memory_space<semaphore_mem>>
        %dma_start3A_154 = arith.constant 0 : i32
        %dma_start3A_155 = tpu.memref_slice %arg7[%add3A_153, %dma_start3A_154] : memref<80x128xi32, #tpu.memory_space<vmem>> -> memref<1x128xi32, #tpu.memory_space<vmem>>
        %dma_start3A_156 = tpu.memref_squeeze %dma_start3A_155 : memref<1x128xi32, #tpu.memory_space<vmem>> -> memref<128xi32, #tpu.memory_space<vmem>>
        %dma_start3A_157 = arith.constant 0 : i32
        %dma_start3A_158 = arith.constant 0 : i32
        %dma_start3A_159 = tpu.memref_slice %arg10[%dma_start3A_157, %dma_start3A_158] : memref<10240x64xbf16, #tpu.memory_space<vmem_shared>> -> memref<10240x64xbf16, #tpu.memory_space<vmem_shared>>
        tpu.enqueue_indirect_dma source(%arg9 : memref<128x64xbf16, #tpu.memory_space<vmem>>) target(%dma_start3A_159 : memref<10240x64xbf16, #tpu.memory_space<vmem_shared>>) offsets(%dma_start3A_156 : memref<128xi32, #tpu.memory_space<vmem>>) semaphore(%run_scoped3A : memref<!tpu.dma_semaphore, #tpu.memory_space<semaphore_mem>>) {add = true}
        %dma_wait3A_160 = arith.constant 0 : i32
        %dma_wait3A_161 = tpu.memref_slice %arg7[%add3A_153, %dma_wait3A_160] : memref<80x128xi32, #tpu.memory_space<vmem>> -> memref<1x128xi32, #tpu.memory_space<vmem>>
        %dma_wait3A_162 = tpu.memref_squeeze %dma_wait3A_161 : memref<1x128xi32, #tpu.memory_space<vmem>> -> memref<128xi32, #tpu.memory_space<vmem>>
        %dma_wait3A_163 = arith.constant 0 : i32
        %dma_wait3A_164 = arith.constant 0 : i32
        %dma_wait3A_165 = tpu.memref_slice %arg10[%dma_wait3A_163, %dma_wait3A_164] : memref<10240x64xbf16, #tpu.memory_space<vmem_shared>> -> memref<10240x64xbf16, #tpu.memory_space<vmem_shared>>
        tpu.wait_indirect_dma semaphore(%run_scoped3A : memref<!tpu.dma_semaphore, #tpu.memory_space<semaphore_mem>>) src(%arg9 : memref<128x64xbf16, #tpu.memory_space<vmem>>) dst(%dma_wait3A_165 : memref<10240x64xbf16, #tpu.memory_space<vmem_shared>>)
        tpu.yield
      }) : () -> ()
    }
    %scan3A_121 = arith.constant 40 : i32
    %barrier3A_122 = arith.constant 0 : index
    tpu.barrier barrier_id(%barrier3A_122)
    "tpu.region"() ({
      %run_scoped3A = tpu.sem_alloc : memref<!tpu.dma_semaphore, #tpu.memory_space<semaphore_mem>>
      %dma_start3A_123 = arith.constant 0 : i32
      %dma_start3A_124 = tpu.memref_slice %arg5[%arg0, %mul3A_2, %dma_start3A_123] : memref<2x10240x64xbf16, #tpu.memory_space<hbm>> -> memref<1x640x64xbf16, #tpu.memory_space<hbm>>
      %dma_start3A_125 = tpu.memref_squeeze %dma_start3A_124 : memref<1x640x64xbf16, #tpu.memory_space<hbm>> -> memref<640x64xbf16, #tpu.memory_space<hbm>>
      %dma_start3A_126 = arith.constant 0 : i32
      %dma_start3A_127 = tpu.memref_slice %arg10[%mul3A_2, %dma_start3A_126] : memref<10240x64xbf16, #tpu.memory_space<vmem_shared>> -> memref<640x64xbf16, #tpu.memory_space<vmem_shared>>
      tpu.enqueue_dma source(%dma_start3A_127 : memref<640x64xbf16, #tpu.memory_space<vmem_shared>>) target(%dma_start3A_125 : memref<640x64xbf16, #tpu.memory_space<hbm>>) target_semaphore(%run_scoped3A : memref<!tpu.dma_semaphore, #tpu.memory_space<semaphore_mem>>)
      %dma_wait3A_128 = arith.constant 0 : i32
      %dma_wait3A_129 = tpu.memref_slice %arg5[%arg0, %mul3A_2, %dma_wait3A_128] : memref<2x10240x64xbf16, #tpu.memory_space<hbm>> -> memref<1x640x64xbf16, #tpu.memory_space<hbm>>
      %dma_wait3A_130 = tpu.memref_squeeze %dma_wait3A_129 : memref<1x640x64xbf16, #tpu.memory_space<hbm>> -> memref<640x64xbf16, #tpu.memory_space<hbm>>
      %dma_wait3A_131 = arith.constant 0 : i32
      %dma_wait3A_132 = tpu.memref_slice %arg10[%mul3A_2, %dma_wait3A_131] : memref<10240x64xbf16, #tpu.memory_space<vmem_shared>> -> memref<640x64xbf16, #tpu.memory_space<vmem_shared>>
      tpu.wait_dma2 semaphore(%run_scoped3A : memref<!tpu.dma_semaphore, #tpu.memory_space<semaphore_mem>>) src(%dma_wait3A_132 : memref<640x64xbf16, #tpu.memory_space<vmem_shared>>) dst(%dma_wait3A_130 : memref<640x64xbf16, #tpu.memory_space<hbm>>)
      tpu.yield
    }) : () -> ()
    return
  }
}

#map = affine_map<(d0, d1) -> (0, 0)>
#map1 = affine_map<(d0, d1) -> (0, 0, 0)>
module attributes {stable_mosaic.version = 14 : i64} {
  func.func @body(%arg0: i32, %arg1: i32, %arg2: memref<10240x64xbf16, #tpu.memory_space<hbm>>, %arg3: memref<32x80x128xi32, #tpu.memory_space<hbm>>, %arg4: memref<32x80x128xi32, #tpu.memory_space<hbm>>, %arg5: memref<2x10240x64xbf16, #tpu.memory_space<hbm>>, %arg6: memref<2x10240xf32, #tpu.memory_space<hbm>>, %arg7: memref<80x128xi32, #tpu.memory_space<vmem>>, %arg8: memref<80x128xi32, #tpu.memory_space<vmem>>, %arg9: memref<128x64xbf16, #tpu.memory_space<vmem>>, %arg10: memref<128x64xbf16, #tpu.memory_space<vmem>>, %arg11: memref<10240x64xbf16, #tpu.memory_space<vmem_shared>>, %arg12: memref<10240x64xbf16, #tpu.memory_space<vmem_shared>>, %arg13: memref<!tpu.dma_semaphore, #tpu.memory_space<semaphore_mem>>, %arg14: memref<!tpu.dma_semaphore, #tpu.memory_space<semaphore_mem>>, %arg15: memref<640xf32, #tpu.memory_space<vmem>>, %arg16: memref<128xf32, #tpu.memory_space<vmem>>, %arg17: memref<10240xf32, #tpu.memory_space<vmem_shared>>, %arg18: memref<!tpu.dma_semaphore, #tpu.memory_space<semaphore_mem>>) attributes {dimension_semantics = [#tpu.dimension_semantics<core_parallel>, #tpu.dimension_semantics<subcore_parallel>], iteration_bounds = array<i64: 2, 16>, scalar_prefetch = 0 : i64, scratch_operands = 12 : i64, tpu.core_type = #tpu.core_type<sc_vector_subcore>, window_params = [{transform_indices = #map}, {transform_indices = #map1}, {transform_indices = #map1}, {transform_indices = #map1}, {transform_indices = #map}]} {
    %mul3A = arith.constant 16 : i32
    %mul3A_0 = arith.muli %arg0, %mul3A : i32
    %add3A = arith.addi %mul3A_0, %arg1 : i32
    %mul3A_1 = arith.constant 640 : i32
    %mul3A_2 = arith.muli %arg1, %mul3A_1 : i32
    %dma_start3A = arith.constant 0 : i32
    %dma_start3A_3 = arith.constant 0 : i32
    %dma_start3A_4 = tpu.memref_slice %arg3[%add3A, %dma_start3A, %dma_start3A_3] : memref<32x80x128xi32, #tpu.memory_space<hbm>> -> memref<1x80x128xi32, #tpu.memory_space<hbm>>
    %dma_start3A_5 = tpu.memref_squeeze %dma_start3A_4 : memref<1x80x128xi32, #tpu.memory_space<hbm>> -> memref<80x128xi32, #tpu.memory_space<hbm>>
    %dma_start3A_6 = arith.constant 0 : i32
    %dma_start3A_7 = arith.constant 0 : i32
    %dma_start3A_8 = tpu.memref_slice %arg3[%add3A, %dma_start3A_6, %dma_start3A_7] : memref<32x80x128xi32, #tpu.memory_space<hbm>> -> memref<1x80x128xi32, #tpu.memory_space<hbm>>
    %dma_start3A_9 = tpu.memref_squeeze %dma_start3A_8 : memref<1x80x128xi32, #tpu.memory_space<hbm>> -> memref<80x128xi32, #tpu.memory_space<hbm>>
    tpu.enqueue_dma source(%dma_start3A_9 : memref<80x128xi32, #tpu.memory_space<hbm>>) target(%arg7 : memref<80x128xi32, #tpu.memory_space<vmem>>) target_semaphore(%arg13 : memref<!tpu.dma_semaphore, #tpu.memory_space<semaphore_mem>>)
    %dma_start3A_10 = arith.constant 0 : i32
    %dma_start3A_11 = arith.constant 0 : i32
    %dma_start3A_12 = tpu.memref_slice %arg4[%add3A, %dma_start3A_10, %dma_start3A_11] : memref<32x80x128xi32, #tpu.memory_space<hbm>> -> memref<1x80x128xi32, #tpu.memory_space<hbm>>
    %dma_start3A_13 = tpu.memref_squeeze %dma_start3A_12 : memref<1x80x128xi32, #tpu.memory_space<hbm>> -> memref<80x128xi32, #tpu.memory_space<hbm>>
    %dma_start3A_14 = arith.constant 0 : i32
    %dma_start3A_15 = arith.constant 0 : i32
    %dma_start3A_16 = tpu.memref_slice %arg4[%add3A, %dma_start3A_14, %dma_start3A_15] : memref<32x80x128xi32, #tpu.memory_space<hbm>> -> memref<1x80x128xi32, #tpu.memory_space<hbm>>
    %dma_start3A_17 = tpu.memref_squeeze %dma_start3A_16 : memref<1x80x128xi32, #tpu.memory_space<hbm>> -> memref<80x128xi32, #tpu.memory_space<hbm>>
    tpu.enqueue_dma source(%dma_start3A_17 : memref<80x128xi32, #tpu.memory_space<hbm>>) target(%arg8 : memref<80x128xi32, #tpu.memory_space<vmem>>) target_semaphore(%arg13 : memref<!tpu.dma_semaphore, #tpu.memory_space<semaphore_mem>>)
    %dma_start3A_18 = arith.constant 0 : i32
    %dma_start3A_19 = tpu.memref_slice %arg12[%mul3A_2, %dma_start3A_18] : memref<10240x64xbf16, #tpu.memory_space<vmem_shared>> -> memref<640x64xbf16, #tpu.memory_space<vmem_shared>>
    %dma_start3A_20 = arith.constant 0 : i32
    %dma_start3A_21 = tpu.memref_slice %arg2[%mul3A_2, %dma_start3A_20] : memref<10240x64xbf16, #tpu.memory_space<hbm>> -> memref<640x64xbf16, #tpu.memory_space<hbm>>
    tpu.enqueue_dma source(%dma_start3A_21 : memref<640x64xbf16, #tpu.memory_space<hbm>>) target(%dma_start3A_19 : memref<640x64xbf16, #tpu.memory_space<vmem_shared>>) target_semaphore(%arg13 : memref<!tpu.dma_semaphore, #tpu.memory_space<semaphore_mem>>)
    %broadcast_in_dim3A = arith.constant 0.000000e+00 : f32
    %broadcast_in_dim3A_22 = vector.broadcast %broadcast_in_dim3A : f32 to vector<16xf32>
    %broadcast_in_dim3A_23 = arith.constant 0.000000e+00 : bf16
    %broadcast_in_dim3A_24 = vector.broadcast %broadcast_in_dim3A_23 : bf16 to vector<32xbf16>
    %scan3A = arith.constant 0 : i32
    %scan3A_25 = arith.constant 0 : i32
    %scan3A_26 = arith.constant 128 : i32
    %scan3A_27 = arith.addi %scan3A_25, %scan3A_26 : i32
    %scan3A_28 = arith.constant 1 : i32
    scf.for %scan3A_170 = %scan3A_25 to %scan3A_27 step %scan3A_28  : i32 {
      %swap3A_171 = arith.index_cast %scan3A_170 : i32 to index
      %swap3A_172 = arith.constant 0 : index
      %swap3A_173 = tpu.vector_load %arg9[%swap3A_171, %swap3A_172] {strides = array<i32>} : memref<128x64xbf16, #tpu.memory_space<vmem>>, vector<1x32xbf16>,
      %swap3A_174 = vector.shape_cast %swap3A_173 : vector<1x32xbf16> to vector<32xbf16>
      %swap3A_175 = vector.shape_cast %broadcast_in_dim3A_24 : vector<32xbf16> to vector<1x32xbf16>
      tpu.vector_store %arg9[%swap3A_171, %swap3A_172], %swap3A_175 {strides = array<i32>} : memref<128x64xbf16, #tpu.memory_space<vmem>>, vector<1x32xbf16>,
      %swap3A_176 = arith.index_cast %scan3A_170 : i32 to index
      %swap3A_177 = arith.constant 32 : index
      %swap3A_178 = tpu.vector_load %arg9[%swap3A_176, %swap3A_177] {strides = array<i32>} : memref<128x64xbf16, #tpu.memory_space<vmem>>, vector<1x32xbf16>,
      %swap3A_179 = vector.shape_cast %swap3A_178 : vector<1x32xbf16> to vector<32xbf16>
      %swap3A_180 = vector.shape_cast %broadcast_in_dim3A_24 : vector<32xbf16> to vector<1x32xbf16>
      tpu.vector_store %arg9[%swap3A_176, %swap3A_177], %swap3A_180 {strides = array<i32>} : memref<128x64xbf16, #tpu.memory_space<vmem>>, vector<1x32xbf16>,
    }
    %scan3A_29 = arith.constant 128 : i32
    %add3A_30 = arith.constant 0 : i32
    %add3A_31 = arith.addi %mul3A_2, %add3A_30 : i32
    %dma_start3A_32 = arith.constant 0 : i32
    %dma_start3A_33 = tpu.memref_slice %arg11[%add3A_31, %dma_start3A_32] : memref<10240x64xbf16, #tpu.memory_space<vmem_shared>> -> memref<128x64xbf16, #tpu.memory_space<vmem_shared>>
    %dma_start3A_34 = arith.constant 0 : i32
    %dma_start3A_35 = tpu.memref_slice %arg11[%add3A_31, %dma_start3A_34] : memref<10240x64xbf16, #tpu.memory_space<vmem_shared>> -> memref<128x64xbf16, #tpu.memory_space<vmem_shared>>
    tpu.enqueue_dma source(%arg9 : memref<128x64xbf16, #tpu.memory_space<vmem>>) target(%dma_start3A_35 : memref<128x64xbf16, #tpu.memory_space<vmem_shared>>) target_semaphore(%arg14 : memref<!tpu.dma_semaphore, #tpu.memory_space<semaphore_mem>>)
    %add3A_36 = arith.constant 128 : i32
    %add3A_37 = arith.addi %mul3A_2, %add3A_36 : i32
    %dma_start3A_38 = arith.constant 0 : i32
    %dma_start3A_39 = tpu.memref_slice %arg11[%add3A_37, %dma_start3A_38] : memref<10240x64xbf16, #tpu.memory_space<vmem_shared>> -> memref<128x64xbf16, #tpu.memory_space<vmem_shared>>
    %dma_start3A_40 = arith.constant 0 : i32
    %dma_start3A_41 = tpu.memref_slice %arg11[%add3A_37, %dma_start3A_40] : memref<10240x64xbf16, #tpu.memory_space<vmem_shared>> -> memref<128x64xbf16, #tpu.memory_space<vmem_shared>>
    tpu.enqueue_dma source(%arg9 : memref<128x64xbf16, #tpu.memory_space<vmem>>) target(%dma_start3A_41 : memref<128x64xbf16, #tpu.memory_space<vmem_shared>>) target_semaphore(%arg14 : memref<!tpu.dma_semaphore, #tpu.memory_space<semaphore_mem>>)
    %add3A_42 = arith.constant 256 : i32
    %add3A_43 = arith.addi %mul3A_2, %add3A_42 : i32
    %dma_start3A_44 = arith.constant 0 : i32
    %dma_start3A_45 = tpu.memref_slice %arg11[%add3A_43, %dma_start3A_44] : memref<10240x64xbf16, #tpu.memory_space<vmem_shared>> -> memref<128x64xbf16, #tpu.memory_space<vmem_shared>>
    %dma_start3A_46 = arith.constant 0 : i32
    %dma_start3A_47 = tpu.memref_slice %arg11[%add3A_43, %dma_start3A_46] : memref<10240x64xbf16, #tpu.memory_space<vmem_shared>> -> memref<128x64xbf16, #tpu.memory_space<vmem_shared>>
    tpu.enqueue_dma source(%arg9 : memref<128x64xbf16, #tpu.memory_space<vmem>>) target(%dma_start3A_47 : memref<128x64xbf16, #tpu.memory_space<vmem_shared>>) target_semaphore(%arg14 : memref<!tpu.dma_semaphore, #tpu.memory_space<semaphore_mem>>)
    %add3A_48 = arith.constant 384 : i32
    %add3A_49 = arith.addi %mul3A_2, %add3A_48 : i32
    %dma_start3A_50 = arith.constant 0 : i32
    %dma_start3A_51 = tpu.memref_slice %arg11[%add3A_49, %dma_start3A_50] : memref<10240x64xbf16, #tpu.memory_space<vmem_shared>> -> memref<128x64xbf16, #tpu.memory_space<vmem_shared>>
    %dma_start3A_52 = arith.constant 0 : i32
    %dma_start3A_53 = tpu.memref_slice %arg11[%add3A_49, %dma_start3A_52] : memref<10240x64xbf16, #tpu.memory_space<vmem_shared>> -> memref<128x64xbf16, #tpu.memory_space<vmem_shared>>
    tpu.enqueue_dma source(%arg9 : memref<128x64xbf16, #tpu.memory_space<vmem>>) target(%dma_start3A_53 : memref<128x64xbf16, #tpu.memory_space<vmem_shared>>) target_semaphore(%arg14 : memref<!tpu.dma_semaphore, #tpu.memory_space<semaphore_mem>>)
    %add3A_54 = arith.constant 512 : i32
    %add3A_55 = arith.addi %mul3A_2, %add3A_54 : i32
    %dma_start3A_56 = arith.constant 0 : i32
    %dma_start3A_57 = tpu.memref_slice %arg11[%add3A_55, %dma_start3A_56] : memref<10240x64xbf16, #tpu.memory_space<vmem_shared>> -> memref<128x64xbf16, #tpu.memory_space<vmem_shared>>
    %dma_start3A_58 = arith.constant 0 : i32
    %dma_start3A_59 = tpu.memref_slice %arg11[%add3A_55, %dma_start3A_58] : memref<10240x64xbf16, #tpu.memory_space<vmem_shared>> -> memref<128x64xbf16, #tpu.memory_space<vmem_shared>>
    tpu.enqueue_dma source(%arg9 : memref<128x64xbf16, #tpu.memory_space<vmem>>) target(%dma_start3A_59 : memref<128x64xbf16, #tpu.memory_space<vmem_shared>>) target_semaphore(%arg14 : memref<!tpu.dma_semaphore, #tpu.memory_space<semaphore_mem>>)
    %dma_wait3A = arith.constant 0 : i32
    %dma_wait3A_60 = arith.constant 0 : i32
    %dma_wait3A_61 = tpu.memref_slice %arg3[%add3A, %dma_wait3A, %dma_wait3A_60] : memref<32x80x128xi32, #tpu.memory_space<hbm>> -> memref<1x80x128xi32, #tpu.memory_space<hbm>>
    %dma_wait3A_62 = tpu.memref_squeeze %dma_wait3A_61 : memref<1x80x128xi32, #tpu.memory_space<hbm>> -> memref<80x128xi32, #tpu.memory_space<hbm>>
    %dma_wait3A_63 = arith.constant 0 : i32
    %dma_wait3A_64 = arith.constant 0 : i32
    %dma_wait3A_65 = tpu.memref_slice %arg3[%add3A, %dma_wait3A_63, %dma_wait3A_64] : memref<32x80x128xi32, #tpu.memory_space<hbm>> -> memref<1x80x128xi32, #tpu.memory_space<hbm>>
    %dma_wait3A_66 = tpu.memref_squeeze %dma_wait3A_65 : memref<1x80x128xi32, #tpu.memory_space<hbm>> -> memref<80x128xi32, #tpu.memory_space<hbm>>
    tpu.wait_dma2 semaphore(%arg13 : memref<!tpu.dma_semaphore, #tpu.memory_space<semaphore_mem>>) src(%dma_wait3A_66 : memref<80x128xi32, #tpu.memory_space<hbm>>) dst(%arg7 : memref<80x128xi32, #tpu.memory_space<vmem>>)
    %dma_wait3A_67 = arith.constant 0 : i32
    %dma_wait3A_68 = arith.constant 0 : i32
    %dma_wait3A_69 = tpu.memref_slice %arg4[%add3A, %dma_wait3A_67, %dma_wait3A_68] : memref<32x80x128xi32, #tpu.memory_space<hbm>> -> memref<1x80x128xi32, #tpu.memory_space<hbm>>
    %dma_wait3A_70 = tpu.memref_squeeze %dma_wait3A_69 : memref<1x80x128xi32, #tpu.memory_space<hbm>> -> memref<80x128xi32, #tpu.memory_space<hbm>>
    %dma_wait3A_71 = arith.constant 0 : i32
    %dma_wait3A_72 = arith.constant 0 : i32
    %dma_wait3A_73 = tpu.memref_slice %arg4[%add3A, %dma_wait3A_71, %dma_wait3A_72] : memref<32x80x128xi32, #tpu.memory_space<hbm>> -> memref<1x80x128xi32, #tpu.memory_space<hbm>>
    %dma_wait3A_74 = tpu.memref_squeeze %dma_wait3A_73 : memref<1x80x128xi32, #tpu.memory_space<hbm>> -> memref<80x128xi32, #tpu.memory_space<hbm>>
    tpu.wait_dma2 semaphore(%arg13 : memref<!tpu.dma_semaphore, #tpu.memory_space<semaphore_mem>>) src(%dma_wait3A_74 : memref<80x128xi32, #tpu.memory_space<hbm>>) dst(%arg8 : memref<80x128xi32, #tpu.memory_space<vmem>>)
    %dma_wait3A_75 = arith.constant 0 : i32
    %dma_wait3A_76 = tpu.memref_slice %arg12[%mul3A_2, %dma_wait3A_75] : memref<10240x64xbf16, #tpu.memory_space<vmem_shared>> -> memref<640x64xbf16, #tpu.memory_space<vmem_shared>>
    %dma_wait3A_77 = arith.constant 0 : i32
    %dma_wait3A_78 = tpu.memref_slice %arg2[%mul3A_2, %dma_wait3A_77] : memref<10240x64xbf16, #tpu.memory_space<hbm>> -> memref<640x64xbf16, #tpu.memory_space<hbm>>
    tpu.wait_dma2 semaphore(%arg13 : memref<!tpu.dma_semaphore, #tpu.memory_space<semaphore_mem>>) src(%dma_wait3A_78 : memref<640x64xbf16, #tpu.memory_space<hbm>>) dst(%dma_wait3A_76 : memref<640x64xbf16, #tpu.memory_space<vmem_shared>>)
    %add3A_79 = arith.constant 0 : i32
    %add3A_80 = arith.addi %mul3A_2, %add3A_79 : i32
    %dma_wait3A_81 = arith.constant 0 : i32
    %dma_wait3A_82 = tpu.memref_slice %arg11[%add3A_80, %dma_wait3A_81] : memref<10240x64xbf16, #tpu.memory_space<vmem_shared>> -> memref<128x64xbf16, #tpu.memory_space<vmem_shared>>
    %dma_wait3A_83 = arith.constant 0 : i32
    %dma_wait3A_84 = tpu.memref_slice %arg11[%add3A_80, %dma_wait3A_83] : memref<10240x64xbf16, #tpu.memory_space<vmem_shared>> -> memref<128x64xbf16, #tpu.memory_space<vmem_shared>>
    tpu.wait_dma2 semaphore(%arg14 : memref<!tpu.dma_semaphore, #tpu.memory_space<semaphore_mem>>) src(%arg9 : memref<128x64xbf16, #tpu.memory_space<vmem>>) dst(%dma_wait3A_84 : memref<128x64xbf16, #tpu.memory_space<vmem_shared>>)
    %add3A_85 = arith.constant 128 : i32
    %add3A_86 = arith.addi %mul3A_2, %add3A_85 : i32
    %dma_wait3A_87 = arith.constant 0 : i32
    %dma_wait3A_88 = tpu.memref_slice %arg11[%add3A_86, %dma_wait3A_87] : memref<10240x64xbf16, #tpu.memory_space<vmem_shared>> -> memref<128x64xbf16, #tpu.memory_space<vmem_shared>>
    %dma_wait3A_89 = arith.constant 0 : i32
    %dma_wait3A_90 = tpu.memref_slice %arg11[%add3A_86, %dma_wait3A_89] : memref<10240x64xbf16, #tpu.memory_space<vmem_shared>> -> memref<128x64xbf16, #tpu.memory_space<vmem_shared>>
    tpu.wait_dma2 semaphore(%arg14 : memref<!tpu.dma_semaphore, #tpu.memory_space<semaphore_mem>>) src(%arg9 : memref<128x64xbf16, #tpu.memory_space<vmem>>) dst(%dma_wait3A_90 : memref<128x64xbf16, #tpu.memory_space<vmem_shared>>)
    %add3A_91 = arith.constant 256 : i32
    %add3A_92 = arith.addi %mul3A_2, %add3A_91 : i32
    %dma_wait3A_93 = arith.constant 0 : i32
    %dma_wait3A_94 = tpu.memref_slice %arg11[%add3A_92, %dma_wait3A_93] : memref<10240x64xbf16, #tpu.memory_space<vmem_shared>> -> memref<128x64xbf16, #tpu.memory_space<vmem_shared>>
    %dma_wait3A_95 = arith.constant 0 : i32
    %dma_wait3A_96 = tpu.memref_slice %arg11[%add3A_92, %dma_wait3A_95] : memref<10240x64xbf16, #tpu.memory_space<vmem_shared>> -> memref<128x64xbf16, #tpu.memory_space<vmem_shared>>
    tpu.wait_dma2 semaphore(%arg14 : memref<!tpu.dma_semaphore, #tpu.memory_space<semaphore_mem>>) src(%arg9 : memref<128x64xbf16, #tpu.memory_space<vmem>>) dst(%dma_wait3A_96 : memref<128x64xbf16, #tpu.memory_space<vmem_shared>>)
    %add3A_97 = arith.constant 384 : i32
    %add3A_98 = arith.addi %mul3A_2, %add3A_97 : i32
    %dma_wait3A_99 = arith.constant 0 : i32
    %dma_wait3A_100 = tpu.memref_slice %arg11[%add3A_98, %dma_wait3A_99] : memref<10240x64xbf16, #tpu.memory_space<vmem_shared>> -> memref<128x64xbf16, #tpu.memory_space<vmem_shared>>
    %dma_wait3A_101 = arith.constant 0 : i32
    %dma_wait3A_102 = tpu.memref_slice %arg11[%add3A_98, %dma_wait3A_101] : memref<10240x64xbf16, #tpu.memory_space<vmem_shared>> -> memref<128x64xbf16, #tpu.memory_space<vmem_shared>>
    tpu.wait_dma2 semaphore(%arg14 : memref<!tpu.dma_semaphore, #tpu.memory_space<semaphore_mem>>) src(%arg9 : memref<128x64xbf16, #tpu.memory_space<vmem>>) dst(%dma_wait3A_102 : memref<128x64xbf16, #tpu.memory_space<vmem_shared>>)
    %add3A_103 = arith.constant 512 : i32
    %add3A_104 = arith.addi %mul3A_2, %add3A_103 : i32
    %dma_wait3A_105 = arith.constant 0 : i32
    %dma_wait3A_106 = tpu.memref_slice %arg11[%add3A_104, %dma_wait3A_105] : memref<10240x64xbf16, #tpu.memory_space<vmem_shared>> -> memref<128x64xbf16, #tpu.memory_space<vmem_shared>>
    %dma_wait3A_107 = arith.constant 0 : i32
    %dma_wait3A_108 = tpu.memref_slice %arg11[%add3A_104, %dma_wait3A_107] : memref<10240x64xbf16, #tpu.memory_space<vmem_shared>> -> memref<128x64xbf16, #tpu.memory_space<vmem_shared>>
    tpu.wait_dma2 semaphore(%arg14 : memref<!tpu.dma_semaphore, #tpu.memory_space<semaphore_mem>>) src(%arg9 : memref<128x64xbf16, #tpu.memory_space<vmem>>) dst(%dma_wait3A_108 : memref<128x64xbf16, #tpu.memory_space<vmem_shared>>)
    %broadcast_in_dim3A_109 = arith.constant 1.000000e+00 : f32
    %broadcast_in_dim3A_110 = vector.broadcast %broadcast_in_dim3A_109 : f32 to vector<16xf32>
    %scan3A_111 = arith.constant 0 : i32
    %scan3A_112 = arith.constant 0 : i32
    %scan3A_113 = arith.constant 40 : i32
    %scan3A_114 = arith.addi %scan3A_112, %scan3A_113 : i32
    %scan3A_115 = arith.constant 1 : i32
    scf.for %scan3A_170 = %scan3A_112 to %scan3A_114 step %scan3A_115  : i32 {
      %mul3A_171 = arith.constant 16 : i32
      %mul3A_172 = arith.muli %scan3A_170, %mul3A_171 : i32
      %swap3A_173 = arith.index_cast %mul3A_172 : i32 to index
      %swap3A_174 = tpu.vector_load %arg15[%swap3A_173] {strides = array<i32>} : memref<640xf32, #tpu.memory_space<vmem>>, vector<16xf32>,
      %swap3A_175 = vector.shape_cast %swap3A_174 : vector<16xf32> to vector<16xf32>
      %swap3A_176 = vector.shape_cast %broadcast_in_dim3A_22 : vector<16xf32> to vector<16xf32>
      tpu.vector_store %arg15[%swap3A_173], %swap3A_176 {strides = array<i32>} : memref<640xf32, #tpu.memory_space<vmem>>, vector<16xf32>,
    }
    %scan3A_116 = arith.constant 40 : i32
    "tpu.region"() ({
      %run_scoped3A = tpu.sem_alloc : memref<!tpu.dma_semaphore, #tpu.memory_space<semaphore_mem>>
      %dma_start3A_170 = tpu.memref_slice %arg17[%mul3A_2] : memref<10240xf32, #tpu.memory_space<vmem_shared>> -> memref<640xf32, #tpu.memory_space<vmem_shared>>
      %dma_start3A_171 = tpu.memref_slice %arg17[%mul3A_2] : memref<10240xf32, #tpu.memory_space<vmem_shared>> -> memref<640xf32, #tpu.memory_space<vmem_shared>>
      tpu.enqueue_dma source(%arg15 : memref<640xf32, #tpu.memory_space<vmem>>) target(%dma_start3A_171 : memref<640xf32, #tpu.memory_space<vmem_shared>>) target_semaphore(%run_scoped3A : memref<!tpu.dma_semaphore, #tpu.memory_space<semaphore_mem>>)
      %dma_wait3A_172 = tpu.memref_slice %arg17[%mul3A_2] : memref<10240xf32, #tpu.memory_space<vmem_shared>> -> memref<640xf32, #tpu.memory_space<vmem_shared>>
      %dma_wait3A_173 = tpu.memref_slice %arg17[%mul3A_2] : memref<10240xf32, #tpu.memory_space<vmem_shared>> -> memref<640xf32, #tpu.memory_space<vmem_shared>>
      tpu.wait_dma2 semaphore(%run_scoped3A : memref<!tpu.dma_semaphore, #tpu.memory_space<semaphore_mem>>) src(%arg15 : memref<640xf32, #tpu.memory_space<vmem>>) dst(%dma_wait3A_173 : memref<640xf32, #tpu.memory_space<vmem_shared>>)
      tpu.yield
    }) : () -> ()
    %swap3A = arith.constant 0 : index
    %swap3A_117 = tpu.vector_load %arg16[%swap3A] {strides = array<i32>} : memref<128xf32, #tpu.memory_space<vmem>>, vector<16xf32>,
    %swap3A_118 = vector.shape_cast %swap3A_117 : vector<16xf32> to vector<16xf32>
    %swap3A_119 = vector.shape_cast %broadcast_in_dim3A_110 : vector<16xf32> to vector<16xf32>
    tpu.vector_store %arg16[%swap3A], %swap3A_119 {strides = array<i32>} : memref<128xf32, #tpu.memory_space<vmem>>, vector<16xf32>,
    %swap3A_120 = arith.constant 16 : index
    %swap3A_121 = tpu.vector_load %arg16[%swap3A_120] {strides = array<i32>} : memref<128xf32, #tpu.memory_space<vmem>>, vector<16xf32>,
    %swap3A_122 = vector.shape_cast %swap3A_121 : vector<16xf32> to vector<16xf32>
    %swap3A_123 = vector.shape_cast %broadcast_in_dim3A_110 : vector<16xf32> to vector<16xf32>
    tpu.vector_store %arg16[%swap3A_120], %swap3A_123 {strides = array<i32>} : memref<128xf32, #tpu.memory_space<vmem>>, vector<16xf32>,
    %swap3A_124 = arith.constant 32 : index
    %swap3A_125 = tpu.vector_load %arg16[%swap3A_124] {strides = array<i32>} : memref<128xf32, #tpu.memory_space<vmem>>, vector<16xf32>,
    %swap3A_126 = vector.shape_cast %swap3A_125 : vector<16xf32> to vector<16xf32>
    %swap3A_127 = vector.shape_cast %broadcast_in_dim3A_110 : vector<16xf32> to vector<16xf32>
    tpu.vector_store %arg16[%swap3A_124], %swap3A_127 {strides = array<i32>} : memref<128xf32, #tpu.memory_space<vmem>>, vector<16xf32>,
    %swap3A_128 = arith.constant 48 : index
    %swap3A_129 = tpu.vector_load %arg16[%swap3A_128] {strides = array<i32>} : memref<128xf32, #tpu.memory_space<vmem>>, vector<16xf32>,
    %swap3A_130 = vector.shape_cast %swap3A_129 : vector<16xf32> to vector<16xf32>
    %swap3A_131 = vector.shape_cast %broadcast_in_dim3A_110 : vector<16xf32> to vector<16xf32>
    tpu.vector_store %arg16[%swap3A_128], %swap3A_131 {strides = array<i32>} : memref<128xf32, #tpu.memory_space<vmem>>, vector<16xf32>,
    %swap3A_132 = arith.constant 64 : index
    %swap3A_133 = tpu.vector_load %arg16[%swap3A_132] {strides = array<i32>} : memref<128xf32, #tpu.memory_space<vmem>>, vector<16xf32>,
    %swap3A_134 = vector.shape_cast %swap3A_133 : vector<16xf32> to vector<16xf32>
    %swap3A_135 = vector.shape_cast %broadcast_in_dim3A_110 : vector<16xf32> to vector<16xf32>
    tpu.vector_store %arg16[%swap3A_132], %swap3A_135 {strides = array<i32>} : memref<128xf32, #tpu.memory_space<vmem>>, vector<16xf32>,
    %swap3A_136 = arith.constant 80 : index
    %swap3A_137 = tpu.vector_load %arg16[%swap3A_136] {strides = array<i32>} : memref<128xf32, #tpu.memory_space<vmem>>, vector<16xf32>,
    %swap3A_138 = vector.shape_cast %swap3A_137 : vector<16xf32> to vector<16xf32>
    %swap3A_139 = vector.shape_cast %broadcast_in_dim3A_110 : vector<16xf32> to vector<16xf32>
    tpu.vector_store %arg16[%swap3A_136], %swap3A_139 {strides = array<i32>} : memref<128xf32, #tpu.memory_space<vmem>>, vector<16xf32>,
    %swap3A_140 = arith.constant 96 : index
    %swap3A_141 = tpu.vector_load %arg16[%swap3A_140] {strides = array<i32>} : memref<128xf32, #tpu.memory_space<vmem>>, vector<16xf32>,
    %swap3A_142 = vector.shape_cast %swap3A_141 : vector<16xf32> to vector<16xf32>
    %swap3A_143 = vector.shape_cast %broadcast_in_dim3A_110 : vector<16xf32> to vector<16xf32>
    tpu.vector_store %arg16[%swap3A_140], %swap3A_143 {strides = array<i32>} : memref<128xf32, #tpu.memory_space<vmem>>, vector<16xf32>,
    %swap3A_144 = arith.constant 112 : index
    %swap3A_145 = tpu.vector_load %arg16[%swap3A_144] {strides = array<i32>} : memref<128xf32, #tpu.memory_space<vmem>>, vector<16xf32>,
    %swap3A_146 = vector.shape_cast %swap3A_145 : vector<16xf32> to vector<16xf32>
    %swap3A_147 = vector.shape_cast %broadcast_in_dim3A_110 : vector<16xf32> to vector<16xf32>
    tpu.vector_store %arg16[%swap3A_144], %swap3A_147 {strides = array<i32>} : memref<128xf32, #tpu.memory_space<vmem>>, vector<16xf32>,
    %barrier3A = arith.constant 0 : index
    tpu.barrier barrier_id(%barrier3A)
    %dma_start3A_148 = arith.constant 0 : i32
    %dma_start3A_149 = arith.constant 0 : i32
    %dma_start3A_150 = tpu.memref_slice %arg7[%dma_start3A_148, %dma_start3A_149] : memref<80x128xi32, #tpu.memory_space<vmem>> -> memref<1x128xi32, #tpu.memory_space<vmem>>
    %dma_start3A_151 = tpu.memref_squeeze %dma_start3A_150 : memref<1x128xi32, #tpu.memory_space<vmem>> -> memref<128xi32, #tpu.memory_space<vmem>>
    %dma_start3A_152 = arith.constant 0 : i32
    %dma_start3A_153 = arith.constant 0 : i32
    %dma_start3A_154 = tpu.memref_slice %arg12[%dma_start3A_152, %dma_start3A_153] : memref<10240x64xbf16, #tpu.memory_space<vmem_shared>> -> memref<10240x64xbf16, #tpu.memory_space<vmem_shared>>
    tpu.enqueue_indirect_dma source(%dma_start3A_154 : memref<10240x64xbf16, #tpu.memory_space<vmem_shared>>) target(%arg9 : memref<128x64xbf16, #tpu.memory_space<vmem>>) offsets(%dma_start3A_151 : memref<128xi32, #tpu.memory_space<vmem>>) semaphore(%arg13 : memref<!tpu.dma_semaphore, #tpu.memory_space<semaphore_mem>>)
    %scan3A_155 = arith.constant 0 : i32
    %scan3A_156 = arith.constant 0 : i32
    %scan3A_157 = arith.constant 40 : i32
    %scan3A_158 = arith.addi %scan3A_156, %scan3A_157 : i32
    %scan3A_159 = arith.constant 1 : i32
    scf.for %scan3A_170 = %scan3A_156 to %scan3A_158 step %scan3A_159  : i32 {
      %mul3A_171 = arith.constant 2 : i32
      %mul3A_172 = arith.muli %mul3A_171, %scan3A_170 : i32
      %add3A_173 = arith.constant 1 : i32
      %add3A_174 = arith.addi %mul3A_172, %add3A_173 : i32
      %dma_start3A_175 = arith.constant 0 : i32
      %dma_start3A_176 = tpu.memref_slice %arg7[%add3A_174, %dma_start3A_175] : memref<80x128xi32, #tpu.memory_space<vmem>> -> memref<1x128xi32, #tpu.memory_space<vmem>>
      %dma_start3A_177 = tpu.memref_squeeze %dma_start3A_176 : memref<1x128xi32, #tpu.memory_space<vmem>> -> memref<128xi32, #tpu.memory_space<vmem>>
      %dma_start3A_178 = arith.constant 0 : i32
      %dma_start3A_179 = arith.constant 0 : i32
      %dma_start3A_180 = tpu.memref_slice %arg12[%dma_start3A_178, %dma_start3A_179] : memref<10240x64xbf16, #tpu.memory_space<vmem_shared>> -> memref<10240x64xbf16, #tpu.memory_space<vmem_shared>>
      tpu.enqueue_indirect_dma source(%dma_start3A_180 : memref<10240x64xbf16, #tpu.memory_space<vmem_shared>>) target(%arg10 : memref<128x64xbf16, #tpu.memory_space<vmem>>) offsets(%dma_start3A_177 : memref<128xi32, #tpu.memory_space<vmem>>) semaphore(%arg14 : memref<!tpu.dma_semaphore, #tpu.memory_space<semaphore_mem>>)
      %dma_wait3A_181 = arith.constant 0 : i32
      %dma_wait3A_182 = tpu.memref_slice %arg7[%mul3A_172, %dma_wait3A_181] : memref<80x128xi32, #tpu.memory_space<vmem>> -> memref<1x128xi32, #tpu.memory_space<vmem>>
      %dma_wait3A_183 = tpu.memref_squeeze %dma_wait3A_182 : memref<1x128xi32, #tpu.memory_space<vmem>> -> memref<128xi32, #tpu.memory_space<vmem>>
      %dma_wait3A_184 = arith.constant 0 : i32
      %dma_wait3A_185 = arith.constant 0 : i32
      %dma_wait3A_186 = tpu.memref_slice %arg12[%dma_wait3A_184, %dma_wait3A_185] : memref<10240x64xbf16, #tpu.memory_space<vmem_shared>> -> memref<10240x64xbf16, #tpu.memory_space<vmem_shared>>
      tpu.wait_indirect_dma semaphore(%arg13 : memref<!tpu.dma_semaphore, #tpu.memory_space<semaphore_mem>>) src(%dma_wait3A_186 : memref<10240x64xbf16, #tpu.memory_space<vmem_shared>>) dst(%arg9 : memref<128x64xbf16, #tpu.memory_space<vmem>>)
      "tpu.region"() ({
        %run_scoped3A = tpu.sem_alloc : memref<!tpu.dma_semaphore, #tpu.memory_space<semaphore_mem>>
        %dma_start3A_213 = arith.constant 0 : i32
        %dma_start3A_214 = tpu.memref_slice %arg8[%mul3A_172, %dma_start3A_213] : memref<80x128xi32, #tpu.memory_space<vmem>> -> memref<1x128xi32, #tpu.memory_space<vmem>>
        %dma_start3A_215 = tpu.memref_squeeze %dma_start3A_214 : memref<1x128xi32, #tpu.memory_space<vmem>> -> memref<128xi32, #tpu.memory_space<vmem>>
        %dma_start3A_216 = arith.constant 0 : i32
        %dma_start3A_217 = arith.constant 0 : i32
        %dma_start3A_218 = tpu.memref_slice %arg11[%dma_start3A_216, %dma_start3A_217] : memref<10240x64xbf16, #tpu.memory_space<vmem_shared>> -> memref<10240x64xbf16, #tpu.memory_space<vmem_shared>>
        tpu.enqueue_indirect_dma source(%arg9 : memref<128x64xbf16, #tpu.memory_space<vmem>>) target(%dma_start3A_218 : memref<10240x64xbf16, #tpu.memory_space<vmem_shared>>) offsets(%dma_start3A_215 : memref<128xi32, #tpu.memory_space<vmem>>) semaphore(%run_scoped3A : memref<!tpu.dma_semaphore, #tpu.memory_space<semaphore_mem>>) {add = true}
        %dma_wait3A_219 = arith.constant 0 : i32
        %dma_wait3A_220 = tpu.memref_slice %arg8[%mul3A_172, %dma_wait3A_219] : memref<80x128xi32, #tpu.memory_space<vmem>> -> memref<1x128xi32, #tpu.memory_space<vmem>>
        %dma_wait3A_221 = tpu.memref_squeeze %dma_wait3A_220 : memref<1x128xi32, #tpu.memory_space<vmem>> -> memref<128xi32, #tpu.memory_space<vmem>>
        %dma_wait3A_222 = arith.constant 0 : i32
        %dma_wait3A_223 = arith.constant 0 : i32
        %dma_wait3A_224 = tpu.memref_slice %arg11[%dma_wait3A_222, %dma_wait3A_223] : memref<10240x64xbf16, #tpu.memory_space<vmem_shared>> -> memref<10240x64xbf16, #tpu.memory_space<vmem_shared>>
        tpu.wait_indirect_dma semaphore(%run_scoped3A : memref<!tpu.dma_semaphore, #tpu.memory_space<semaphore_mem>>) src(%arg9 : memref<128x64xbf16, #tpu.memory_space<vmem>>) dst(%dma_wait3A_224 : memref<10240x64xbf16, #tpu.memory_space<vmem_shared>>)
        tpu.yield
      }) : () -> ()
      %dma_start3A_187 = arith.constant 0 : i32
      %dma_start3A_188 = tpu.memref_slice %arg8[%mul3A_172, %dma_start3A_187] : memref<80x128xi32, #tpu.memory_space<vmem>> -> memref<1x128xi32, #tpu.memory_space<vmem>>
      %dma_start3A_189 = tpu.memref_squeeze %dma_start3A_188 : memref<1x128xi32, #tpu.memory_space<vmem>> -> memref<128xi32, #tpu.memory_space<vmem>>
      %dma_start3A_190 = arith.constant 0 : i32
      %dma_start3A_191 = tpu.memref_slice %arg17[%dma_start3A_190] : memref<10240xf32, #tpu.memory_space<vmem_shared>> -> memref<10240xf32, #tpu.memory_space<vmem_shared>>
      tpu.enqueue_indirect_dma source(%arg16 : memref<128xf32, #tpu.memory_space<vmem>>) target(%dma_start3A_191 : memref<10240xf32, #tpu.memory_space<vmem_shared>>) offsets(%dma_start3A_189 : memref<128xi32, #tpu.memory_space<vmem>>) semaphore(%arg18 : memref<!tpu.dma_semaphore, #tpu.memory_space<semaphore_mem>>) {add = true}
      %add3A_192 = arith.constant 1 : i32
      %add3A_193 = arith.addi %scan3A_170, %add3A_192 : i32
      %lt3A = arith.constant 40 : i32
      %lt3A_194 = arith.cmpi slt, %add3A_193, %lt3A : i32
      %convert_element_type3A_195 = arith.extui %lt3A_194 : i1 to i32
      %cond3A_196 = arith.constant 0 : i32
      %cond3A_197 = arith.cmpi ne, %convert_element_type3A_195, %cond3A_196 : i32
      scf.if %cond3A_197 {
        %add3A_213 = arith.constant 2 : i32
        %add3A_214 = arith.addi %mul3A_172, %add3A_213 : i32
        %dma_start3A_215 = arith.constant 0 : i32
        %dma_start3A_216 = tpu.memref_slice %arg7[%add3A_214, %dma_start3A_215] : memref<80x128xi32, #tpu.memory_space<vmem>> -> memref<1x128xi32, #tpu.memory_space<vmem>>
        %dma_start3A_217 = tpu.memref_squeeze %dma_start3A_216 : memref<1x128xi32, #tpu.memory_space<vmem>> -> memref<128xi32, #tpu.memory_space<vmem>>
        %dma_start3A_218 = arith.constant 0 : i32
        %dma_start3A_219 = arith.constant 0 : i32
        %dma_start3A_220 = tpu.memref_slice %arg12[%dma_start3A_218, %dma_start3A_219] : memref<10240x64xbf16, #tpu.memory_space<vmem_shared>> -> memref<10240x64xbf16, #tpu.memory_space<vmem_shared>>
        tpu.enqueue_indirect_dma source(%dma_start3A_220 : memref<10240x64xbf16, #tpu.memory_space<vmem_shared>>) target(%arg9 : memref<128x64xbf16, #tpu.memory_space<vmem>>) offsets(%dma_start3A_217 : memref<128xi32, #tpu.memory_space<vmem>>) semaphore(%arg13 : memref<!tpu.dma_semaphore, #tpu.memory_space<semaphore_mem>>)
      } else {
      }
      %add3A_198 = arith.constant 1 : i32
      %add3A_199 = arith.addi %mul3A_172, %add3A_198 : i32
      %dma_wait3A_200 = arith.constant 0 : i32
      %dma_wait3A_201 = tpu.memref_slice %arg7[%add3A_199, %dma_wait3A_200] : memref<80x128xi32, #tpu.memory_space<vmem>> -> memref<1x128xi32, #tpu.memory_space<vmem>>
      %dma_wait3A_202 = tpu.memref_squeeze %dma_wait3A_201 : memref<1x128xi32, #tpu.memory_space<vmem>> -> memref<128xi32, #tpu.memory_space<vmem>>
      %dma_wait3A_203 = arith.constant 0 : i32
      %dma_wait3A_204 = arith.constant 0 : i32
      %dma_wait3A_205 = tpu.memref_slice %arg12[%dma_wait3A_203, %dma_wait3A_204] : memref<10240x64xbf16, #tpu.memory_space<vmem_shared>> -> memref<10240x64xbf16, #tpu.memory_space<vmem_shared>>
      tpu.wait_indirect_dma semaphore(%arg14 : memref<!tpu.dma_semaphore, #tpu.memory_space<semaphore_mem>>) src(%dma_wait3A_205 : memref<10240x64xbf16, #tpu.memory_space<vmem_shared>>) dst(%arg10 : memref<128x64xbf16, #tpu.memory_space<vmem>>)
      %add3A_206 = arith.constant 1 : i32
      %add3A_207 = arith.addi %mul3A_172, %add3A_206 : i32
      "tpu.region"() ({
        %run_scoped3A = tpu.sem_alloc : memref<!tpu.dma_semaphore, #tpu.memory_space<semaphore_mem>>
        %dma_start3A_213 = arith.constant 0 : i32
        %dma_start3A_214 = tpu.memref_slice %arg8[%add3A_207, %dma_start3A_213] : memref<80x128xi32, #tpu.memory_space<vmem>> -> memref<1x128xi32, #tpu.memory_space<vmem>>
        %dma_start3A_215 = tpu.memref_squeeze %dma_start3A_214 : memref<1x128xi32, #tpu.memory_space<vmem>> -> memref<128xi32, #tpu.memory_space<vmem>>
        %dma_start3A_216 = arith.constant 0 : i32
        %dma_start3A_217 = arith.constant 0 : i32
        %dma_start3A_218 = tpu.memref_slice %arg11[%dma_start3A_216, %dma_start3A_217] : memref<10240x64xbf16, #tpu.memory_space<vmem_shared>> -> memref<10240x64xbf16, #tpu.memory_space<vmem_shared>>
        tpu.enqueue_indirect_dma source(%arg10 : memref<128x64xbf16, #tpu.memory_space<vmem>>) target(%dma_start3A_218 : memref<10240x64xbf16, #tpu.memory_space<vmem_shared>>) offsets(%dma_start3A_215 : memref<128xi32, #tpu.memory_space<vmem>>) semaphore(%run_scoped3A : memref<!tpu.dma_semaphore, #tpu.memory_space<semaphore_mem>>) {add = true}
        %dma_wait3A_219 = arith.constant 0 : i32
        %dma_wait3A_220 = tpu.memref_slice %arg8[%add3A_207, %dma_wait3A_219] : memref<80x128xi32, #tpu.memory_space<vmem>> -> memref<1x128xi32, #tpu.memory_space<vmem>>
        %dma_wait3A_221 = tpu.memref_squeeze %dma_wait3A_220 : memref<1x128xi32, #tpu.memory_space<vmem>> -> memref<128xi32, #tpu.memory_space<vmem>>
        %dma_wait3A_222 = arith.constant 0 : i32
        %dma_wait3A_223 = arith.constant 0 : i32
        %dma_wait3A_224 = tpu.memref_slice %arg11[%dma_wait3A_222, %dma_wait3A_223] : memref<10240x64xbf16, #tpu.memory_space<vmem_shared>> -> memref<10240x64xbf16, #tpu.memory_space<vmem_shared>>
        tpu.wait_indirect_dma semaphore(%run_scoped3A : memref<!tpu.dma_semaphore, #tpu.memory_space<semaphore_mem>>) src(%arg10 : memref<128x64xbf16, #tpu.memory_space<vmem>>) dst(%dma_wait3A_224 : memref<10240x64xbf16, #tpu.memory_space<vmem_shared>>)
        tpu.yield
      }) : () -> ()
      %dma_start3A_208 = arith.constant 0 : i32
      %dma_start3A_209 = tpu.memref_slice %arg8[%add3A_207, %dma_start3A_208] : memref<80x128xi32, #tpu.memory_space<vmem>> -> memref<1x128xi32, #tpu.memory_space<vmem>>
      %dma_start3A_210 = tpu.memref_squeeze %dma_start3A_209 : memref<1x128xi32, #tpu.memory_space<vmem>> -> memref<128xi32, #tpu.memory_space<vmem>>
      %dma_start3A_211 = arith.constant 0 : i32
      %dma_start3A_212 = tpu.memref_slice %arg17[%dma_start3A_211] : memref<10240xf32, #tpu.memory_space<vmem_shared>> -> memref<10240xf32, #tpu.memory_space<vmem_shared>>
      tpu.enqueue_indirect_dma source(%arg16 : memref<128xf32, #tpu.memory_space<vmem>>) target(%dma_start3A_212 : memref<10240xf32, #tpu.memory_space<vmem_shared>>) offsets(%dma_start3A_210 : memref<128xi32, #tpu.memory_space<vmem>>) semaphore(%arg18 : memref<!tpu.dma_semaphore, #tpu.memory_space<semaphore_mem>>) {add = true}
    }
    %scan3A_160 = arith.constant 40 : i32
    %scan3A_161 = arith.constant 0 : i32
    %scan3A_162 = arith.constant 0 : i32
    %scan3A_163 = arith.constant 80 : i32
    %scan3A_164 = arith.addi %scan3A_162, %scan3A_163 : i32
    %scan3A_165 = arith.constant 1 : i32
    scf.for %scan3A_170 = %scan3A_162 to %scan3A_164 step %scan3A_165  : i32 {
      %dma_wait3A_171 = arith.constant 0 : i32
      %dma_wait3A_172 = tpu.memref_slice %arg8[%scan3A_170, %dma_wait3A_171] : memref<80x128xi32, #tpu.memory_space<vmem>> -> memref<1x128xi32, #tpu.memory_space<vmem>>
      %dma_wait3A_173 = tpu.memref_squeeze %dma_wait3A_172 : memref<1x128xi32, #tpu.memory_space<vmem>> -> memref<128xi32, #tpu.memory_space<vmem>>
      %dma_wait3A_174 = arith.constant 0 : i32
      %dma_wait3A_175 = tpu.memref_slice %arg17[%dma_wait3A_174] : memref<10240xf32, #tpu.memory_space<vmem_shared>> -> memref<10240xf32, #tpu.memory_space<vmem_shared>>
      tpu.wait_indirect_dma semaphore(%arg18 : memref<!tpu.dma_semaphore, #tpu.memory_space<semaphore_mem>>) src(%arg16 : memref<128xf32, #tpu.memory_space<vmem>>) dst(%dma_wait3A_175 : memref<10240xf32, #tpu.memory_space<vmem_shared>>)
    }
    %scan3A_166 = arith.constant 80 : i32
    %barrier3A_167 = arith.constant 0 : index
    tpu.barrier barrier_id(%barrier3A_167)
    "tpu.region"() ({
      %run_scoped3A = tpu.sem_alloc : memref<!tpu.dma_semaphore, #tpu.memory_space<semaphore_mem>>
      %dma_start3A_170 = arith.constant 0 : i32
      %dma_start3A_171 = tpu.memref_slice %arg5[%arg0, %mul3A_2, %dma_start3A_170] : memref<2x10240x64xbf16, #tpu.memory_space<hbm>> -> memref<1x640x64xbf16, #tpu.memory_space<hbm>>
      %dma_start3A_172 = tpu.memref_squeeze %dma_start3A_171 : memref<1x640x64xbf16, #tpu.memory_space<hbm>> -> memref<640x64xbf16, #tpu.memory_space<hbm>>
      %dma_start3A_173 = arith.constant 0 : i32
      %dma_start3A_174 = tpu.memref_slice %arg11[%mul3A_2, %dma_start3A_173] : memref<10240x64xbf16, #tpu.memory_space<vmem_shared>> -> memref<640x64xbf16, #tpu.memory_space<vmem_shared>>
      tpu.enqueue_dma source(%dma_start3A_174 : memref<640x64xbf16, #tpu.memory_space<vmem_shared>>) target(%dma_start3A_172 : memref<640x64xbf16, #tpu.memory_space<hbm>>) target_semaphore(%run_scoped3A : memref<!tpu.dma_semaphore, #tpu.memory_space<semaphore_mem>>)
      %dma_wait3A_175 = arith.constant 0 : i32
      %dma_wait3A_176 = tpu.memref_slice %arg5[%arg0, %mul3A_2, %dma_wait3A_175] : memref<2x10240x64xbf16, #tpu.memory_space<hbm>> -> memref<1x640x64xbf16, #tpu.memory_space<hbm>>
      %dma_wait3A_177 = tpu.memref_squeeze %dma_wait3A_176 : memref<1x640x64xbf16, #tpu.memory_space<hbm>> -> memref<640x64xbf16, #tpu.memory_space<hbm>>
      %dma_wait3A_178 = arith.constant 0 : i32
      %dma_wait3A_179 = tpu.memref_slice %arg11[%mul3A_2, %dma_wait3A_178] : memref<10240x64xbf16, #tpu.memory_space<vmem_shared>> -> memref<640x64xbf16, #tpu.memory_space<vmem_shared>>
      tpu.wait_dma2 semaphore(%run_scoped3A : memref<!tpu.dma_semaphore, #tpu.memory_space<semaphore_mem>>) src(%dma_wait3A_179 : memref<640x64xbf16, #tpu.memory_space<vmem_shared>>) dst(%dma_wait3A_177 : memref<640x64xbf16, #tpu.memory_space<hbm>>)
      tpu.yield
    }) : () -> ()
    %eq3A = arith.constant 0 : i32
    %eq3A_168 = arith.cmpi eq, %arg1, %eq3A : i32
    %convert_element_type3A = arith.extui %eq3A_168 : i1 to i32
    %cond3A = arith.constant 0 : i32
    %cond3A_169 = arith.cmpi ne, %convert_element_type3A, %cond3A : i32
    scf.if %cond3A_169 {
      "tpu.region"() ({
        %run_scoped3A = tpu.sem_alloc : memref<!tpu.dma_semaphore, #tpu.memory_space<semaphore_mem>>
        %dma_start3A_170 = arith.constant 0 : i32
        %dma_start3A_171 = tpu.memref_slice %arg6[%arg0, %dma_start3A_170] : memref<2x10240xf32, #tpu.memory_space<hbm>> -> memref<1x10240xf32, #tpu.memory_space<hbm>>
        %dma_start3A_172 = tpu.memref_squeeze %dma_start3A_171 : memref<1x10240xf32, #tpu.memory_space<hbm>> -> memref<10240xf32, #tpu.memory_space<hbm>>
        tpu.enqueue_dma source(%arg17 : memref<10240xf32, #tpu.memory_space<vmem_shared>>) target(%dma_start3A_172 : memref<10240xf32, #tpu.memory_space<hbm>>) target_semaphore(%run_scoped3A : memref<!tpu.dma_semaphore, #tpu.memory_space<semaphore_mem>>)
        %dma_wait3A_173 = arith.constant 0 : i32
        %dma_wait3A_174 = tpu.memref_slice %arg6[%arg0, %dma_wait3A_173] : memref<2x10240xf32, #tpu.memory_space<hbm>> -> memref<1x10240xf32, #tpu.memory_space<hbm>>
        %dma_wait3A_175 = tpu.memref_squeeze %dma_wait3A_174 : memref<1x10240xf32, #tpu.memory_space<hbm>> -> memref<10240xf32, #tpu.memory_space<hbm>>
        tpu.wait_dma2 semaphore(%run_scoped3A : memref<!tpu.dma_semaphore, #tpu.memory_space<semaphore_mem>>) src(%arg17 : memref<10240xf32, #tpu.memory_space<vmem_shared>>) dst(%dma_wait3A_175 : memref<10240xf32, #tpu.memory_space<hbm>>)
        tpu.yield
      }) : () -> ()
    } else {
    }
    return
  }
}

module attributes {stable_mosaic.version = 14 : i64} {
  func.func @_mm1_body(%arg0: i32, %arg1: memref<1024x128xf32, #tpu.memory_space<vmem>>, %arg2: memref<128x128xf32, #tpu.memory_space<vmem>>, %arg3: memref<1024x64xbf16, #tpu.memory_space<vmem>>, %arg4: memref<1024x64xf32, #tpu.memory_space<vmem>>) attributes {dimension_semantics = [#tpu.dimension_semantics<arbitrary>], iteration_bounds = array<i64: 10>, scalar_prefetch = 0 : i64, scratch_operands = 0 : i64, tpu.core_type = #tpu.core_type<tc>, window_params = [{transform_indices = @transform_0, window_bounds = array<i64: 1024, 128>}, {pipeline_mode = #tpu.pipeline_mode<synchronous>, transform_indices = @transform_1, window_bounds = array<i64: 128, 128>}, {transform_indices = @transform_2, window_bounds = array<i64: 1024, 64>}, {transform_indices = @transform_3, window_bounds = array<i64: 1024, 64>}]} {
    %get3A = arith.constant 0 : index
    %get3A_0 = arith.constant 0 : index
    %get3A_1 = vector.load %arg1[%get3A, %get3A_0] : memref<1024x128xf32, #tpu.memory_space<vmem>>, vector<1024x128xf32>
    %get3A_2 = arith.constant 0 : index
    %get3A_3 = arith.constant 0 : index
    %get3A_4 = vector.load %arg2[%get3A_2, %get3A_3] : memref<128x128xf32, #tpu.memory_space<vmem>>, vector<128x128xf32>
    %dot_general3A = arith.constant dense<0.000000e+00> : vector<1024x128xf32>
    %dot_general3A_5 = tpu.matmul %get3A_1, %get3A_4, %dot_general3A {dimension_numbers = #tpu.dot_dimension_numbers<[1], [0], [0], [1], [0, 0, 1, 1], [], []>, transpose_lhs_hint = false} : vector<1024x128xf32>, vector<128x128xf32>, vector<1024x128xf32> -> vector<1024x128xf32>
    %slice3A = vector.extract_strided_slice %dot_general3A_5 {offsets = [0, 0], sizes = [1024, 64], strides = [1, 1]} : vector<1024x128xf32> to vector<1024x64xf32>
    %convert_element_type3A = arith.truncf %slice3A : vector<1024x64xf32> to vector<1024x64xbf16>
    %swap3A = arith.constant 0 : index
    %swap3A_6 = arith.constant 0 : index
    %swap3A_7 = vector.load %arg3[%swap3A, %swap3A_6] : memref<1024x64xbf16, #tpu.memory_space<vmem>>, vector<1024x64xbf16>
    tpu.vector_store %arg3[%swap3A, %swap3A_6], %convert_element_type3A {strides = array<i32>} : memref<1024x64xbf16, #tpu.memory_space<vmem>>, vector<1024x64xbf16>,
    %slice3A_8 = vector.extract_strided_slice %dot_general3A_5 {offsets = [0, 64], sizes = [1024, 64], strides = [1, 1]} : vector<1024x128xf32> to vector<1024x64xf32>
    %swap3A_9 = arith.constant 0 : index
    %swap3A_10 = arith.constant 0 : index
    %swap3A_11 = vector.load %arg4[%swap3A_9, %swap3A_10] : memref<1024x64xf32, #tpu.memory_space<vmem>>, vector<1024x64xf32>
    tpu.vector_store %arg4[%swap3A_9, %swap3A_10], %slice3A_8 {strides = array<i32>} : memref<1024x64xf32, #tpu.memory_space<vmem>>, vector<1024x64xf32>,
    return
  }
  func.func @transform_0(%arg0: i32) -> (i32, i32) {
    %c0_i32 = arith.constant 0 : i32
    %c0_i32_0 = arith.constant 0 : i32
    return %arg0, %c0_i32 : i32, i32
  }
  func.func @transform_1(%arg0: i32) -> (i32, i32) {
    %c0_i32 = arith.constant 0 : i32
    %c0_i32_0 = arith.constant 0 : i32
    %c0_i32_1 = arith.constant 0 : i32
    return %c0_i32, %c0_i32_0 : i32, i32
  }
  func.func @transform_2(%arg0: i32) -> (i32, i32) {
    %c0_i32 = arith.constant 0 : i32
    %c0_i32_0 = arith.constant 0 : i32
    return %arg0, %c0_i32 : i32, i32
  }
  func.func @transform_3(%arg0: i32) -> (i32, i32) {
    %c0_i32 = arith.constant 0 : i32
    %c0_i32_0 = arith.constant 0 : i32
    return %arg0, %c0_i32 : i32, i32
  }
}

module attributes {stable_mosaic.version = 14 : i64} {
  func.func @_l2_body(%arg0: i32, %arg1: memref<2x1024x64xbf16, #tpu.memory_space<vmem>>, %arg2: memref<2x1024x1xf32, #tpu.memory_space<vmem>>, %arg3: memref<1024x64xf32, #tpu.memory_space<vmem>>, %arg4: memref<1x64xf32, #tpu.memory_space<vmem>>, %arg5: memref<64x128xf32, #tpu.memory_space<vmem>>, %arg6: memref<1024x64xbf16, #tpu.memory_space<vmem>>, %arg7: memref<1024x64xf32, #tpu.memory_space<vmem>>) attributes {dimension_semantics = [#tpu.dimension_semantics<arbitrary>], iteration_bounds = array<i64: 10>, scalar_prefetch = 0 : i64, scratch_operands = 0 : i64, tpu.core_type = #tpu.core_type<tc>, window_params = [{transform_indices = @transform_0, window_bounds = array<i64: 2, 1024, 64>}, {transform_indices = @transform_1, window_bounds = array<i64: 2, 1024, 1>}, {transform_indices = @transform_2, window_bounds = array<i64: 1024, 64>}, {pipeline_mode = #tpu.pipeline_mode<synchronous>, transform_indices = @transform_3, window_bounds = array<i64: 1, 64>}, {pipeline_mode = #tpu.pipeline_mode<synchronous>, transform_indices = @transform_4, window_bounds = array<i64: 64, 128>}, {transform_indices = @transform_5, window_bounds = array<i64: 1024, 64>}, {transform_indices = @transform_6, window_bounds = array<i64: 1024, 64>}]} {
    %get3A = arith.constant 0 : index
    %get3A_0 = arith.constant 0 : index
    %get3A_1 = arith.constant 0 : index
    %get3A_2 = vector.load %arg1[%get3A, %get3A_0, %get3A_1] : memref<2x1024x64xbf16, #tpu.memory_space<vmem>>, vector<1x1024x64xbf16>
    %get3A_3 = vector.shape_cast %get3A_2 : vector<1x1024x64xbf16> to vector<1024x64xbf16>
    %convert_element_type3A = arith.extf %get3A_3 : vector<1024x64xbf16> to vector<1024x64xf32>
    %get3A_4 = arith.constant 1 : index
    %get3A_5 = arith.constant 0 : index
    %get3A_6 = arith.constant 0 : index
    %get3A_7 = vector.load %arg1[%get3A_4, %get3A_5, %get3A_6] : memref<2x1024x64xbf16, #tpu.memory_space<vmem>>, vector<1x1024x64xbf16>
    %get3A_8 = vector.shape_cast %get3A_7 : vector<1x1024x64xbf16> to vector<1024x64xbf16>
    %convert_element_type3A_9 = arith.extf %get3A_8 : vector<1024x64xbf16> to vector<1024x64xf32>
    %add3A = arith.addf %convert_element_type3A, %convert_element_type3A_9 : vector<1024x64xf32>
    %get3A_10 = arith.constant 0 : index
    %get3A_11 = arith.constant 0 : index
    %get3A_12 = arith.constant 0 : index
    %get3A_13 = vector.load %arg2[%get3A_10, %get3A_11, %get3A_12] : memref<2x1024x1xf32, #tpu.memory_space<vmem>>, vector<1x1024x1xf32>
    %get3A_14 = vector.shape_cast %get3A_13 : vector<1x1024x1xf32> to vector<1024x1xf32>
    %get3A_15 = arith.constant 1 : index
    %get3A_16 = arith.constant 0 : index
    %get3A_17 = arith.constant 0 : index
    %get3A_18 = vector.load %arg2[%get3A_15, %get3A_16, %get3A_17] : memref<2x1024x1xf32, #tpu.memory_space<vmem>>, vector<1x1024x1xf32>
    %get3A_19 = vector.shape_cast %get3A_18 : vector<1x1024x1xf32> to vector<1024x1xf32>
    %add3A_20 = arith.addf %get3A_14, %get3A_19 : vector<1024x1xf32>
    %max3A = arith.constant 1.000000e+00 : f32
    %max3A_21 = vector.broadcast %max3A : f32 to vector<1024x1xf32>
    %max3A_22 = arith.maximumf %add3A_20, %max3A_21 : vector<1024x1xf32>
    %div3A = vector.broadcast %max3A_22 : vector<1024x1xf32> to vector<1024x64xf32>
    %div3A_23 = arith.divf %add3A, %div3A : vector<1024x64xf32>
    %get3A_24 = arith.constant 0 : index
    %get3A_25 = arith.constant 0 : index
    %get3A_26 = vector.load %arg4[%get3A_24, %get3A_25] : memref<1x64xf32, #tpu.memory_space<vmem>>, vector<1x64xf32>
    %add3A_27 = vector.broadcast %get3A_26 : vector<1x64xf32> to vector<1024x64xf32>
    %add3A_28 = arith.addf %div3A_23, %add3A_27 : vector<1024x64xf32>
    %get3A_29 = arith.constant 0 : index
    %get3A_30 = arith.constant 0 : index
    %get3A_31 = vector.load %arg3[%get3A_29, %get3A_30] : memref<1024x64xf32, #tpu.memory_space<vmem>>, vector<1024x64xf32>
    %add3A_32 = arith.addf %add3A_28, %get3A_31 : vector<1024x64xf32>
    %max3A_33 = arith.constant 0.000000e+00 : f32
    %max3A_34 = vector.broadcast %max3A_33 : f32 to vector<1024x64xf32>
    %max3A_35 = arith.maximumf %add3A_32, %max3A_34 : vector<1024x64xf32>
    %get3A_36 = arith.constant 0 : index
    %get3A_37 = arith.constant 0 : index
    %get3A_38 = vector.load %arg5[%get3A_36, %get3A_37] : memref<64x128xf32, #tpu.memory_space<vmem>>, vector<64x128xf32>
    %dot_general3A = arith.constant dense<0.000000e+00> : vector<1024x128xf32>
    %dot_general3A_39 = tpu.matmul %max3A_35, %get3A_38, %dot_general3A {dimension_numbers = #tpu.dot_dimension_numbers<[1], [0], [0], [1], [0, 0, 1, 1], [], []>, transpose_lhs_hint = false} : vector<1024x64xf32>, vector<64x128xf32>, vector<1024x128xf32> -> vector<1024x128xf32>
    %slice3A = vector.extract_strided_slice %dot_general3A_39 {offsets = [0, 0], sizes = [1024, 64], strides = [1, 1]} : vector<1024x128xf32> to vector<1024x64xf32>
    %convert_element_type3A_40 = arith.truncf %slice3A : vector<1024x64xf32> to vector<1024x64xbf16>
    %swap3A = arith.constant 0 : index
    %swap3A_41 = arith.constant 0 : index
    %swap3A_42 = vector.load %arg6[%swap3A, %swap3A_41] : memref<1024x64xbf16, #tpu.memory_space<vmem>>, vector<1024x64xbf16>
    tpu.vector_store %arg6[%swap3A, %swap3A_41], %convert_element_type3A_40 {strides = array<i32>} : memref<1024x64xbf16, #tpu.memory_space<vmem>>, vector<1024x64xbf16>,
    %slice3A_43 = vector.extract_strided_slice %dot_general3A_39 {offsets = [0, 64], sizes = [1024, 64], strides = [1, 1]} : vector<1024x128xf32> to vector<1024x64xf32>
    %swap3A_44 = arith.constant 0 : index
    %swap3A_45 = arith.constant 0 : index
    %swap3A_46 = vector.load %arg7[%swap3A_44, %swap3A_45] : memref<1024x64xf32, #tpu.memory_space<vmem>>, vector<1024x64xf32>
    tpu.vector_store %arg7[%swap3A_44, %swap3A_45], %slice3A_43 {strides = array<i32>} : memref<1024x64xf32, #tpu.memory_space<vmem>>, vector<1024x64xf32>,
    return
  }
  func.func @transform_0(%arg0: i32) -> (i32, i32, i32) {
    %c0_i32 = arith.constant 0 : i32
    %c0_i32_0 = arith.constant 0 : i32
    %c0_i32_1 = arith.constant 0 : i32
    return %c0_i32, %arg0, %c0_i32_0 : i32, i32, i32
  }
  func.func @transform_1(%arg0: i32) -> (i32, i32, i32) {
    %c0_i32 = arith.constant 0 : i32
    %c0_i32_0 = arith.constant 0 : i32
    %c0_i32_1 = arith.constant 0 : i32
    return %c0_i32, %arg0, %c0_i32_0 : i32, i32, i32
  }
  func.func @transform_2(%arg0: i32) -> (i32, i32) {
    %c0_i32 = arith.constant 0 : i32
    %c0_i32_0 = arith.constant 0 : i32
    return %arg0, %c0_i32 : i32, i32
  }
  func.func @transform_3(%arg0: i32) -> (i32, i32) {
    %c0_i32 = arith.constant 0 : i32
    %c0_i32_0 = arith.constant 0 : i32
    %c0_i32_1 = arith.constant 0 : i32
    return %c0_i32, %c0_i32_0 : i32, i32
  }
  func.func @transform_4(%arg0: i32) -> (i32, i32) {
    %c0_i32 = arith.constant 0 : i32
    %c0_i32_0 = arith.constant 0 : i32
    %c0_i32_1 = arith.constant 0 : i32
    return %c0_i32, %c0_i32_0 : i32, i32
  }
  func.func @transform_5(%arg0: i32) -> (i32, i32) {
    %c0_i32 = arith.constant 0 : i32
    %c0_i32_0 = arith.constant 0 : i32
    return %arg0, %c0_i32 : i32, i32
  }
  func.func @transform_6(%arg0: i32) -> (i32, i32) {
    %c0_i32 = arith.constant 0 : i32
    %c0_i32_0 = arith.constant 0 : i32
    return %arg0, %c0_i32 : i32, i32
  }
}

module attributes {stable_mosaic.version = 14 : i64} {
  func.func @_fin_body(%arg0: i32, %arg1: memref<2x1024x64xbf16, #tpu.memory_space<vmem>>, %arg2: memref<2x1024x1xf32, #tpu.memory_space<vmem>>, %arg3: memref<1024x64xf32, #tpu.memory_space<vmem>>, %arg4: memref<1x64xf32, #tpu.memory_space<vmem>>, %arg5: memref<1x1024xi32, #tpu.memory_space<vmem>>, %arg6: memref<64x1xf32, #tpu.memory_space<vmem>>, %arg7: memref<1x1xf32, #tpu.memory_space<vmem>>, %arg8: memref<16x1xf32, #tpu.memory_space<vmem>>, %arg9: memref<16x64xf32, #tpu.memory_space<vmem>>, %arg10: memref<16x1xf32, #tpu.memory_space<vmem>>) attributes {dimension_semantics = [#tpu.dimension_semantics<arbitrary>], iteration_bounds = array<i64: 10>, scalar_prefetch = 0 : i64, scratch_operands = 2 : i64, tpu.core_type = #tpu.core_type<tc>, window_params = [{transform_indices = @transform_0, window_bounds = array<i64: 2, 1024, 64>}, {transform_indices = @transform_1, window_bounds = array<i64: 2, 1024, 1>}, {transform_indices = @transform_2, window_bounds = array<i64: 1024, 64>}, {pipeline_mode = #tpu.pipeline_mode<synchronous>, transform_indices = @transform_3, window_bounds = array<i64: 1, 64>}, {transform_indices = @transform_4, window_bounds = array<i64: 1, 1024>}, {pipeline_mode = #tpu.pipeline_mode<synchronous>, transform_indices = @transform_5, window_bounds = array<i64: 64, 1>}, {pipeline_mode = #tpu.pipeline_mode<synchronous>, transform_indices = @transform_6, window_bounds = array<i64: 1, 1>}, {pipeline_mode = #tpu.pipeline_mode<synchronous>, transform_indices = @transform_7, window_bounds = array<i64: 16, 1>}]} {
    %eq3A = arith.constant 0 : i32
    %eq3A_0 = arith.cmpi eq, %arg0, %eq3A : i32
    %convert_element_type3A = arith.extui %eq3A_0 : i1 to i32
    %cond3A = arith.constant 0 : i32
    %cond3A_1 = arith.cmpi ne, %convert_element_type3A, %cond3A : i32
    scf.if %cond3A_1 {
      %broadcast_in_dim3A_65 = arith.constant 0.000000e+00 : f32
      %broadcast_in_dim3A_66 = vector.broadcast %broadcast_in_dim3A_65 : f32 to vector<16x64xf32>
      %swap3A_67 = arith.constant 0 : index
      %swap3A_68 = arith.constant 0 : index
      %swap3A_69 = vector.load %arg9[%swap3A_67, %swap3A_68] : memref<16x64xf32, #tpu.memory_space<vmem>>, vector<16x64xf32>
      tpu.vector_store %arg9[%swap3A_67, %swap3A_68], %broadcast_in_dim3A_66 {strides = array<i32>} : memref<16x64xf32, #tpu.memory_space<vmem>>, vector<16x64xf32>,
      %broadcast_in_dim3A_70 = arith.constant 0.000000e+00 : f32
      %broadcast_in_dim3A_71 = vector.broadcast %broadcast_in_dim3A_70 : f32 to vector<16x1xf32>
      %swap3A_72 = arith.constant 0 : index
      %swap3A_73 = arith.constant 0 : index
      %swap3A_74 = vector.load %arg10[%swap3A_72, %swap3A_73] : memref<16x1xf32, #tpu.memory_space<vmem>>, vector<16x1xf32>
      tpu.vector_store %arg10[%swap3A_72, %swap3A_73], %broadcast_in_dim3A_71 {strides = array<i32>} : memref<16x1xf32, #tpu.memory_space<vmem>>, vector<16x1xf32>,
    } else {
    }
    %get3A = arith.constant 0 : index
    %get3A_2 = arith.constant 0 : index
    %get3A_3 = arith.constant 0 : index
    %get3A_4 = vector.load %arg1[%get3A, %get3A_2, %get3A_3] : memref<2x1024x64xbf16, #tpu.memory_space<vmem>>, vector<1x1024x64xbf16>
    %get3A_5 = vector.shape_cast %get3A_4 : vector<1x1024x64xbf16> to vector<1024x64xbf16>
    %convert_element_type3A_6 = arith.extf %get3A_5 : vector<1024x64xbf16> to vector<1024x64xf32>
    %get3A_7 = arith.constant 1 : index
    %get3A_8 = arith.constant 0 : index
    %get3A_9 = arith.constant 0 : index
    %get3A_10 = vector.load %arg1[%get3A_7, %get3A_8, %get3A_9] : memref<2x1024x64xbf16, #tpu.memory_space<vmem>>, vector<1x1024x64xbf16>
    %get3A_11 = vector.shape_cast %get3A_10 : vector<1x1024x64xbf16> to vector<1024x64xbf16>
    %convert_element_type3A_12 = arith.extf %get3A_11 : vector<1024x64xbf16> to vector<1024x64xf32>
    %add3A = arith.addf %convert_element_type3A_6, %convert_element_type3A_12 : vector<1024x64xf32>
    %get3A_13 = arith.constant 0 : index
    %get3A_14 = arith.constant 0 : index
    %get3A_15 = arith.constant 0 : index
    %get3A_16 = vector.load %arg2[%get3A_13, %get3A_14, %get3A_15] : memref<2x1024x1xf32, #tpu.memory_space<vmem>>, vector<1x1024x1xf32>
    %get3A_17 = vector.shape_cast %get3A_16 : vector<1x1024x1xf32> to vector<1024x1xf32>
    %get3A_18 = arith.constant 1 : index
    %get3A_19 = arith.constant 0 : index
    %get3A_20 = arith.constant 0 : index
    %get3A_21 = vector.load %arg2[%get3A_18, %get3A_19, %get3A_20] : memref<2x1024x1xf32, #tpu.memory_space<vmem>>, vector<1x1024x1xf32>
    %get3A_22 = vector.shape_cast %get3A_21 : vector<1x1024x1xf32> to vector<1024x1xf32>
    %add3A_23 = arith.addf %get3A_17, %get3A_22 : vector<1024x1xf32>
    %max3A = arith.constant 1.000000e+00 : f32
    %max3A_24 = vector.broadcast %max3A : f32 to vector<1024x1xf32>
    %max3A_25 = arith.maximumf %add3A_23, %max3A_24 : vector<1024x1xf32>
    %div3A = vector.broadcast %max3A_25 : vector<1024x1xf32> to vector<1024x64xf32>
    %div3A_26 = arith.divf %add3A, %div3A : vector<1024x64xf32>
    %get3A_27 = arith.constant 0 : index
    %get3A_28 = arith.constant 0 : index
    %get3A_29 = vector.load %arg4[%get3A_27, %get3A_28] : memref<1x64xf32, #tpu.memory_space<vmem>>, vector<1x64xf32>
    %add3A_30 = vector.broadcast %get3A_29 : vector<1x64xf32> to vector<1024x64xf32>
    %add3A_31 = arith.addf %div3A_26, %add3A_30 : vector<1024x64xf32>
    %get3A_32 = arith.constant 0 : index
    %get3A_33 = arith.constant 0 : index
    %get3A_34 = vector.load %arg3[%get3A_32, %get3A_33] : memref<1024x64xf32, #tpu.memory_space<vmem>>, vector<1024x64xf32>
    %add3A_35 = arith.addf %add3A_31, %get3A_34 : vector<1024x64xf32>
    %get3A_36 = arith.constant 0 : index
    %get3A_37 = arith.constant 0 : index
    %get3A_38 = vector.load %arg5[%get3A_36, %get3A_37] : memref<1x1024xi32, #tpu.memory_space<vmem>>, vector<1x1024xi32>
    %iota3A = tpu.iota {dimensions = array<i32: 0>} : vector<16x1024xi32>
    %eq3A_39 = vector.broadcast %get3A_38 : vector<1x1024xi32> to vector<16x1024xi32>
    %eq3A_40 = arith.cmpi eq, %iota3A, %eq3A_39 : vector<16x1024xi32>
    %convert_element_type3A_41 = arith.extui %eq3A_40 : vector<16x1024xi1> to vector<16x1024xi32>
    %convert_element_type3A_42 = arith.sitofp %convert_element_type3A_41 : vector<16x1024xi32> to vector<16x1024xf32>
    %get3A_43 = arith.constant 0 : index
    %get3A_44 = arith.constant 0 : index
    %get3A_45 = vector.load %arg9[%get3A_43, %get3A_44] : memref<16x64xf32, #tpu.memory_space<vmem>>, vector<16x64xf32>
    %dot_general3A = arith.constant dense<0.000000e+00> : vector<16x64xf32>
    %dot_general3A_46 = tpu.matmul %convert_element_type3A_42, %add3A_35, %dot_general3A {dimension_numbers = #tpu.dot_dimension_numbers<[1], [0], [0], [1], [0, 0, 1, 1], [], []>, transpose_lhs_hint = false} : vector<16x1024xf32>, vector<1024x64xf32>, vector<16x64xf32> -> vector<16x64xf32>
    %add3A_47 = arith.addf %get3A_45, %dot_general3A_46 : vector<16x64xf32>
    %swap3A = arith.constant 0 : index
    %swap3A_48 = arith.constant 0 : index
    %swap3A_49 = vector.load %arg9[%swap3A, %swap3A_48] : memref<16x64xf32, #tpu.memory_space<vmem>>, vector<16x64xf32>
    tpu.vector_store %arg9[%swap3A, %swap3A_48], %add3A_47 {strides = array<i32>} : memref<16x64xf32, #tpu.memory_space<vmem>>, vector<16x64xf32>,
    %get3A_50 = arith.constant 0 : index
    %get3A_51 = arith.constant 0 : index
    %get3A_52 = vector.load %arg10[%get3A_50, %get3A_51] : memref<16x1xf32, #tpu.memory_space<vmem>>, vector<16x1xf32>
    %broadcast_in_dim3A = arith.constant 1.000000e+00 : f32
    %broadcast_in_dim3A_53 = vector.broadcast %broadcast_in_dim3A : f32 to vector<1024x1xf32>
    %dot_general3A_54 = arith.constant dense<0.000000e+00> : vector<16x1xf32>
    %dot_general3A_55 = tpu.matmul %convert_element_type3A_42, %broadcast_in_dim3A_53, %dot_general3A_54 {dimension_numbers = #tpu.dot_dimension_numbers<[1], [0], [0], [1], [0, 0, 1, 1], [], []>, transpose_lhs_hint = false} : vector<16x1024xf32>, vector<1024x1xf32>, vector<16x1xf32> -> vector<16x1xf32>
    %add3A_56 = arith.addf %get3A_52, %dot_general3A_55 : vector<16x1xf32>
    %swap3A_57 = arith.constant 0 : index
    %swap3A_58 = arith.constant 0 : index
    %swap3A_59 = vector.load %arg10[%swap3A_57, %swap3A_58] : memref<16x1xf32, #tpu.memory_space<vmem>>, vector<16x1xf32>
    tpu.vector_store %arg10[%swap3A_57, %swap3A_58], %add3A_56 {strides = array<i32>} : memref<16x1xf32, #tpu.memory_space<vmem>>, vector<16x1xf32>,
    %eq3A_60 = arith.constant 9 : i32
    %eq3A_61 = arith.cmpi eq, %arg0, %eq3A_60 : i32
    %convert_element_type3A_62 = arith.extui %eq3A_61 : i1 to i32
    %cond3A_63 = arith.constant 0 : i32
    %cond3A_64 = arith.cmpi ne, %convert_element_type3A_62, %cond3A_63 : i32
    scf.if %cond3A_64 {
      %get3A_65 = arith.constant 0 : index
      %get3A_66 = arith.constant 0 : index
      %get3A_67 = vector.load %arg9[%get3A_65, %get3A_66] : memref<16x64xf32, #tpu.memory_space<vmem>>, vector<16x64xf32>
      %get3A_68 = arith.constant 0 : index
      %get3A_69 = arith.constant 0 : index
      %get3A_70 = vector.load %arg10[%get3A_68, %get3A_69] : memref<16x1xf32, #tpu.memory_space<vmem>>, vector<16x1xf32>
      %max3A_71 = arith.constant 1.000000e+00 : f32
      %max3A_72 = vector.broadcast %max3A_71 : f32 to vector<16x1xf32>
      %max3A_73 = arith.maximumf %get3A_70, %max3A_72 : vector<16x1xf32>
      %div3A_74 = vector.broadcast %max3A_73 : vector<16x1xf32> to vector<16x64xf32>
      %div3A_75 = arith.divf %get3A_67, %div3A_74 : vector<16x64xf32>
      %get3A_76 = arith.constant 0 : index
      %get3A_77 = arith.constant 0 : index
      %get3A_78 = vector.load %arg6[%get3A_76, %get3A_77] : memref<64x1xf32, #tpu.memory_space<vmem>>, vector<64x1xf32>
      %dot_general3A_79 = arith.constant dense<0.000000e+00> : vector<16x1xf32>
      %dot_general3A_80 = tpu.matmul %div3A_75, %get3A_78, %dot_general3A_79 {dimension_numbers = #tpu.dot_dimension_numbers<[1], [0], [0], [1], [0, 0, 1, 1], [], []>, transpose_lhs_hint = false} : vector<16x64xf32>, vector<64x1xf32>, vector<16x1xf32> -> vector<16x1xf32>
      %get3A_81 = arith.constant 0 : index
      %get3A_82 = arith.constant 0 : index
      %get3A_83 = vector.load %arg7[%get3A_81, %get3A_82] : memref<1x1xf32, #tpu.memory_space<vmem>>, vector<1x1xf32>
      %add3A_84 = vector.broadcast %get3A_83 : vector<1x1xf32> to vector<16x1xf32>
      %add3A_85 = arith.addf %dot_general3A_80, %add3A_84 : vector<16x1xf32>
      %swap3A_86 = arith.constant 0 : index
      %swap3A_87 = arith.constant 0 : index
      %swap3A_88 = vector.load %arg8[%swap3A_86, %swap3A_87] : memref<16x1xf32, #tpu.memory_space<vmem>>, vector<16x1xf32>
      tpu.vector_store %arg8[%swap3A_86, %swap3A_87], %add3A_85 {strides = array<i32>} : memref<16x1xf32, #tpu.memory_space<vmem>>, vector<16x1xf32>,
    } else {
    }
    return
  }
  func.func @transform_0(%arg0: i32) -> (i32, i32, i32) {
    %c0_i32 = arith.constant 0 : i32
    %c0_i32_0 = arith.constant 0 : i32
    %c0_i32_1 = arith.constant 0 : i32
    return %c0_i32, %arg0, %c0_i32_0 : i32, i32, i32
  }
  func.func @transform_1(%arg0: i32) -> (i32, i32, i32) {
    %c0_i32 = arith.constant 0 : i32
    %c0_i32_0 = arith.constant 0 : i32
    %c0_i32_1 = arith.constant 0 : i32
    return %c0_i32, %arg0, %c0_i32_0 : i32, i32, i32
  }
  func.func @transform_2(%arg0: i32) -> (i32, i32) {
    %c0_i32 = arith.constant 0 : i32
    %c0_i32_0 = arith.constant 0 : i32
    return %arg0, %c0_i32 : i32, i32
  }
  func.func @transform_3(%arg0: i32) -> (i32, i32) {
    %c0_i32 = arith.constant 0 : i32
    %c0_i32_0 = arith.constant 0 : i32
    %c0_i32_1 = arith.constant 0 : i32
    return %c0_i32, %c0_i32_0 : i32, i32
  }
  func.func @transform_4(%arg0: i32) -> (i32, i32) {
    %c0_i32 = arith.constant 0 : i32
    %c0_i32_0 = arith.constant 0 : i32
    return %c0_i32, %arg0 : i32, i32
  }
  func.func @transform_5(%arg0: i32) -> (i32, i32) {
    %c0_i32 = arith.constant 0 : i32
    %c0_i32_0 = arith.constant 0 : i32
    %c0_i32_1 = arith.constant 0 : i32
    return %c0_i32, %c0_i32_0 : i32, i32
  }
  func.func @transform_6(%arg0: i32) -> (i32, i32) {
    %c0_i32 = arith.constant 0 : i32
    %c0_i32_0 = arith.constant 0 : i32
    %c0_i32_1 = arith.constant 0 : i32
    return %c0_i32, %c0_i32_0 : i32, i32
  }
  func.func @transform_7(%arg0: i32) -> (i32, i32) {
    %c0_i32 = arith.constant 0 : i32
    %c0_i32_0 = arith.constant 0 : i32
    %c0_i32_1 = arith.constant 0 : i32
    return %c0_i32, %c0_i32_0 : i32, i32
  }
}

</mosaic_0001>

<sc_bundles>
// kernel: kernel.10.cloned.1.call-start
scs
__scs_entry_jumppad:
0x0: {  	(pc) =	sbr.rel $0x88, $3  }
0x1: {  	(tag) =	ssettag $0x0;
	lr =	simm.s32 $0x1  }
0x2: {  	[smem:$0x3F96] =	sst lr;
	_ =	strace $0xD0000000  }
0x3: {  	_ = 	snop  }
0x4: {  	_ = 	snop  }
0x5: {  	_ = 	snop  }
0x6: {  	_ = 	snop  }
0x7: {  	_ = 	snop  }
__scs_overlays_trampoline_lowered:
0x8: {  	[smem:$0x3FA5] =	sst s0  }
0x9: {  	[smem:$0x3FA6] =	sst s1  }
0xa: {  	[smem:$0x3FA7] =	sst s2  }
0xb: {  	[smem:$0x3FA8] =	sst s3  }
0xc: {  	[smem:$0x3FA9] =	sst s4  }
0xd: {  	[smem:$0x3FAA] =	sst s5  }
0xe: {  	[smem:$0x3FAB] =	sst s6  }
0xf: {  	[smem:$0x3FAC] =	sst s7  }
0x10: {  	[smem:$0x3FAD] =	sst s8  }
0x11: {  	[smem:$0x3FAE] =	sst s9;
	s0 =	simm.s32 @!p0 $0x0  }
0x12: {  	s1 =	sld [smem:$0x3F94];
	s0 =	simm.s32 @p0 $0x1  }
0x13: {  	[smem:$0x3FAF] =	sst s0;
	s0 =	simm.s32 @!p1 $0x0  }
0x14: {  	s2 =	sld [smem:$0x3F93];
	s0 =	simm.s32 @p1 $0x1  }
0x15: {  	[smem:$0x3FB0] =	sst s0;
	s0 =	simm.s32 @!p2 $0x0  }
0x16: {  	s3 =	sld [smem:$0x3FDB];
	s0 =	simm.s32 @p2 $0x1  }
0x17: {  	s4 =	simm.s32 $0x1BF5;
	[smem:$0x3FB2] =	sst s0  }
0x18: {  	s0 =	sld [smem:$0x3F95];
	_ =	swait.ge [sflag:s4], $0x0  }
0x19: {  	s7 =	sld [smem:$0x3F96]  }
0x1a: {  	s8 =	sadd.s32 $0xFFFFE003, lr  }
0x1b: {  	s9 =	sadd.s32 $0xFFFFFEF7, lr;
	s5 =	simm.s32 $0xFFFFFFFF;
	p2 =	slt.u32 s8, $0xFFFFF086  }
0x1c: {  	p1 =	slt.u32 s9, $0xF7A;
	s5 =	simm.s32 @!p2 $0x0  }
0x1d: {  	s5 =	simm.s32 @p1 $0x1;
	p0 =	seq.s32 s7, s2  }
0x1e: {  	s7 =	smul.u32 @!p0 $0xF7A, s2;
	p2 =	seq.s32 @!p0 s5, $0x0  }
0x1f: {  	s9 =	smul.u32 $0xF7A, s1;
	s8 =	simm.s32 @!p0 $0x1BF5;
	p2 =	por !p2, p0  }
0x20: {  	[sflag:s8] =	ssyncset.s32 @!p0 $0xFFFFF086;
	s6 =	sadd.s32 @!p0 s3, s7;
	s7 =	simm.s32 @!p0 $0x108  }
0x21: {  	s3 =	sadd.s32 s3, s9;
	s6 =	sadd.s32 @!p0 $0x88, s6;
	s7 =	simm.s32 @p2 $0x1082  }
0x22: {  	[simem:s7], [sflag:s8] =	dma.local @!p0 [hbm:s6], $0xF7A  }
0x23: {  	s9 =	sor.u32 $0xD0000000, s2;
	s6 =	simm.s32 $0x108;
	_ =	swait.ge @!p0 [sflag:s8], $0x0  }
0x24: {  	s3 =	sadd.s32 $0x88, s3;
	s6 =	simm.s32 @!p1 $0x1082;
	[sflag:s4] =	ssyncset.s32 $0xFFFFF086  }
0x25: {  	[simem:s6], [sflag:s4] =	dma.local [hbm:s3], $0xF7A  }
0x26: {  	[smem:$0x3F96] =	sst s1;
	(tag) =	ssettag s2;
	_ =	strace s9  }
0x27: {  	s1 =	sld [smem:$0x3FA6]  }
0x28: {  	s2 =	sld [smem:$0x3FA7]  }
0x29: {  	s4 =	sld [smem:$0x3FA9]  }
0x2a: {  	p0 =	seq.s32 s5, $0x0;
	s5 =	sld [smem:$0x3FAA]  }
0x2b: {  	s6 =	sld [smem:$0x3FAB]  }
0x2c: {  	s7 =	sld [smem:$0x3FAC]  }
0x2d: {  	s3 =	simm.s32 $0x108;
	s8 =	sld [smem:$0x3FAD]  }
0x2e: {  	s3 =	simm.s32 @!p0 $0x1082;
	s9 =	sld [smem:$0x3FAE]  }
0x2f: {  	lr =	sadd.s32 s0, s3;
	s0 =	sld [smem:$0x3FA5]  }
0x30: {  	s3 =	sld [smem:$0x3FA8]  }
0x31: {  	[smem:$0x3FB1] =	sst s10  }
0x32: {  	s10 =	sld [smem:$0x3FAF];
	_ =	sdelay $0x3  }
0x33: {  	p0 =	seq.s32 s10, $0x1;
	s10 =	sld [smem:$0x3FB1];
	_ =	sdelay $0x3  }
0x34: {  	[smem:$0x3FB1] =	sst s10  }
0x35: {  	s10 =	sld [smem:$0x3FB0];
	_ =	sdelay $0x3  }
0x36: {  	p1 =	seq.s32 s10, $0x1;
	s10 =	sld [smem:$0x3FB1];
	_ =	sdelay $0x3  }
0x37: {  	[smem:$0x3FB1] =	sst s10  }
0x38: {  	s10 =	sld [smem:$0x3FB2]  }
0x39: {  	_ = 	snop;
	(pc) =	sbr.ind lr, $3  }
0x3a: {  	_ = 	snop  }
0x3b: {  	_ = 	snop  }
0x3c: {  	p2 =	seq.s32 s10, $0x1;
	s10 =	sld [smem:$0x3FB1]  }
0x3d: {  	_ =	shalt  }
0x3e: {  	_ =	shalt  }
0x3f: {  	_ =	shalt  }
0x40: {  	_ =	shalt  }
0x41: {  	_ =	shalt  }
0x42: {  	_ =	shalt  }
0x43: {  	_ =	shalt  }
0x44: {  	_ =	shalt  }
0x45: {  	_ =	shalt  }
0x46: {  	_ =	shalt  }
0x47: {  	_ =	shalt  }
0x48: {  	_ =	shalt  }
0x49: {  	_ =	shalt  }
0x4a: {  	_ =	shalt  }
0x4b: {  	_ =	shalt  }
0x4c: {  	_ =	shalt  }
0x4d: {  	_ =	shalt  }
0x4e: {  	_ =	shalt  }
0x4f: {  	_ =	shalt  }
0x50: {  	_ =	shalt  }
0x51: {  	_ =	shalt  }
0x52: {  	_ =	shalt  }
0x53: {  	_ =	shalt  }
0x54: {  	_ =	shalt  }
0x55: {  	_ =	shalt  }
0x56: {  	_ =	shalt  }
0x57: {  	_ =	shalt  }
0x58: {  	_ =	shalt  }
0x59: {  	_ =	shalt  }
0x5a: {  	_ =	shalt  }
0x5b: {  	_ =	shalt  }
0x5c: {  	_ =	shalt  }
0x5d: {  	_ =	shalt  }
0x5e: {  	_ =	shalt  }
0x5f: {  	_ =	shalt  }
0x60: {  	_ =	shalt  }
0x61: {  	_ =	shalt  }
0x62: {  	_ =	shalt  }
0x63: {  	_ =	shalt  }
0x64: {  	_ =	shalt  }
0x65: {  	_ =	shalt  }
0x66: {  	_ =	shalt  }
0x67: {  	_ =	shalt  }
0x68: {  	_ =	shalt  }
0x69: {  	_ =	shalt  }
0x6a: {  	_ =	shalt  }
0x6b: {  	_ =	shalt  }
0x6c: {  	_ =	shalt  }
0x6d: {  	_ =	shalt  }
0x6e: {  	_ =	shalt  }
0x6f: {  	_ =	shalt  }
0x70: {  	_ =	shalt  }
0x71: {  	_ =	shalt  }
0x72: {  	_ =	shalt  }
0x73: {  	_ =	shalt  }
0x74: {  	_ =	shalt  }
0x75: {  	_ =	shalt  }
0x76: {  	_ =	shalt  }
0x77: {  	_ =	shalt  }
0x78: {  	_ =	shalt  }
0x79: {  	_ =	shalt  }
0x7a: {  	_ =	shalt  }
0x7b: {  	_ =	shalt  }
0x7c: {  	_ =	shalt  }
0x7d: {  	_ =	shalt  }
0x7e: {  	_ =	shalt  }
0x7f: {  	_ =	shalt  }
0x80: {  	_ =	shalt  }
0x81: {  	_ =	shalt  }
0x82: {  	_ =	shalt  }
0x83: {  	_ =	shalt  }
0x84: {  	_ =	shalt  }
0x85: {  	_ =	shalt  }
0x86: {  	_ =	shalt  }
0x87: {  	_ =	shalt  }
.Lfunc_end0:
.L_simem_size_0:
called_computation.1_lowered:
.L_overlay_start_0:
0x88: {  	s2 =	sld [smem:$0x3FD9]  }
0x89: {  	s3 =	sld [smem:$0x3FFE];
	_ =	sdelay $0x1  }
0x8a: {  	s1 =	srdreg.scid  }
0x8b: {  	s0 =	sand.u32 $0x1, s1  }
0x8c: {  	s16 =	sshll.u32 s0, $0xA;
	s2 =	sadd.s32 s3, s2  }
0x8d: {  	s2 =	sadd.s32 s2, s16  }
0x8e: {  	[smem:$0x3FBD] =	sst s2  }
0x8f: {  	_ = 	snop  }
0x90: {  	(tm) =	ssettm $0x1  }
0x91: {  	s17 =	sld [smem:$0x3FFB];
	_ =	sdelay $0x3  }
0x92: {  	_ =	strace s17  }
0x93: {  	s2 =	sld [smem:$0x3FFC];
	_ =	sdelay $0x3  }
0x94: {  	_ =	strace s2  }
0x95: {  	s2 =	sld [smem:$0x3FFD];
	_ =	sdelay $0x3  }
0x96: {  	_ =	strace s2  }
0x97: {  	_ =	strace $0x8FFFFFFF  }
0x98: {  	s18 =	sld [smem:$0x3FDB];
	_ =	sdelay $0x1  }
0x99: {  	s19 =	simm.s32 $_scs_section_size  }
0x9a: {  	s4 =	simm.s32 $_size__tile_overlayer_lowered;
	s5 =	simm.s32 $_tile_overlayer_lowered  }
0x9b: {  	s22 =	simm.s32 $0x1BFF;
	s21 =	sshll.u32 s5, $0x1;
	s2 =	sadd.s32 s19, s18  }
0x9c: {  	s6 =	simm.s32 $0x0;
	s20 =	sshll.u32 s4, $0x1;
	s4 =	sadd.s32 s21, s2  }
0x9d: {  	[timem:s6], [sflag:s22] =	dma.local [hbm:s4], s20  }
0x9e: {  	_ =	swait.ge [sflag:s22], s20  }
0x9f: {  	s3 =	ssub.s32 $0x0, s20;
	[sflag:s22] =	ssyncset.done $0x0  }
0xa0: {  	[sflag:s22] =	ssyncadd.s32 s3;
	_ =	sdelay $0x1  }
0xa1: {  	s23 =	simm.s32 $0x1B8B  }
0xa2: {  	_ =	swait.ge [sflag:s23], $0x1  }
0xa3: {  	[sflag:s23] =	ssyncset.done $0x0  }
0xa4: {  	s25 =	simm.s32 $0x1B8E;
	s24 =	sld [smem:$0x3FFE];
	[sflag:s23] =	ssyncadd.s32 $0xFFFFFFFF  }
0xa5: {  	s26 =	simm.s32 $execute0_lowered;
	[smem:$0x3FD2] =	sst s25  }
0xa6: {  	s4 =	sshll.u32 s26, $0x1;
	_ =	strace $0x80000049;
	[dreg:$0x1] =	wrdreg $0xFFFFFFFF  }
0xa7: {  	s28 =	simm.s32 $_size_execute0_lowered;
	s2 =	sadd.s32 s2, s4;
	[dreg:$0x0] =	wrdreg $0x0  }
0xa8: {  	s4 =	sshll.u32 s28, $0x1;
	[dreg:$0x2] =	wrdreg s2  }
0xa9: {  	[dreg:$0x3] =	wrdreg s4  }
0xaa: {  	[dreg:$0x4] =	wrdreg $0xC0  }
0xab: {  	_ =	task [dreg:s6], $0x5FFFF  }
0xac: {  	[dreg:$0x1] =	wrdreg $0xFFFFFFFF  }
0xad: {  	[dreg:$0x0] =	wrdreg $0x60  }
0xae: {  	[dreg:$0x2] =	wrdreg s24  }
0xaf: {  	[dreg:$0x3] =	wrdreg $0xC0000  }
0xb0: {  	[dreg:$0x4] =	wrdreg $0x70000  }
0xb1: {  	[dreg:$0x5] =	wrdreg $0x9  }
0xb2: {  	_ =	task.clear_ibuf [dreg:s6], $0x6FFFF;
	_ =	strace $0x90000049  }
0xb3: {  	s29 =	simm.s32 $0x9;
	_ =	strace $0x8000004B  }
0xb4: {  	_ =	swait.ge [sflag:s29], $0x1  }
0xb5: {  	[sflag:s29] =	ssyncadd.s32 $0xFFFFFFFF  }
0xb6: {  	_ =	strace $0x9000004B  }
0xb7: {  	_ =	sfence  }
0xb8: {  	s30 =	sld [smem:$0x0];
	_ =	sdelay $0x2  }
0xb9: {  	s31 =	sshll.u32 s1, $0xD;
	s1 =	sshrl.u32 s1, $0x2  }
0xba: {  	s3 =	sand.u32 $0x4000, s31;
	s1 =	sadd.s32 s1, s30  }
0xbb: {  	s0 =	sor.u32 s3, s0;
	s1 =	sshll.u32 s1, $0x11  }
0xbc: {  	s0 =	sor.u32 s1, s0  }
0xbd: {  	s0 =	sadd.s32 $0x8F2B, s0  }
0xbe: {  	[sflag:s0] =	ssyncadd.remote.s32 $0x1  }
0xbf: {  	_ =	sfence.sel $0xFFFF  }
0xc0: {  	[dreg:$0x0] =	wrdreg $0xFFFFFFFF;
	(pc) =	sbr.abs _section_cstart, $3  }
0xc1: {  	[dreg:$0x1] =	wrdreg $0xFFFFFFFF  }
0xc2: {  	_ =	task.clear_ibuf [dreg:s6], $0x2FFFF;
	_ =	strace $0x9FFFFFFF  }
0xc3: {  	(tm) =	ssettm $0x7FFFFFFF  }
tec
execute0_lowered:
.L_overlay_start_1:
0x0: {  	(tag) =	ssettag $0x1  }
0x1: {  	s5 =	rddreg [dreg:$0x0]  }
0x2: {  	s2 =	rddreg [dreg:$0x1]  }
0x3: {  	s3 =	rddreg [dreg:$0x2]  }
0x4: {  	s0 =	stileid.u32;
	s6 =	srdreg.scid;
	s4 =	simm.s32 $0x0  }
0x5: {  	s19 =	simm.s32 $0x5000;
	s20 =	simm.s32 $0x1;
	s21 =	simm.s32 $0x2  }
0x6: {  	s22 =	simm.s32 $0x80;
	s23 =	simm.s32 $0x6000;
	s24 =	simm.s32 $0x3  }
0x7: {  	s25 =	simm.s32 $0x2780;
	s26 =	simm.s32 $0x4F00;
	s28 =	simm.s32 $0x4F80  }
0x8: {  	s29 =	simm.s32 $0x0;
	s7 =	smul.u32 $0xA000, s0;
	s6 =	sand.u32 $0x1, s6  }
0x9: {  	[smem:$0x7FF] =	sst s4;
	s31 =	smul.u32 $0x14000, s0;
	s8 =	sshll.u32 s6, $0x4  }
0xa: {  	s9 =	smul.u32 $0xA0000, s6;
	_ =	strace $0x8000004A;
	s6 =	ssub.s32 $0x2, s6  }
0xb: {  	s8 =	sor.u32 s0, s8;
	s10 =	sshrl.u32 s7, $0x4;
	s30 =	sshrl.u32 s6, $0x1  }
0xc: {  	s11 =	sshrl.u32 s7, $0x1;
	s12 =	sshrl.u32 s31, $0x2;
	s8 =	smul.u32 $0x500, s8  }
0xd: {  	s9 =	sadd.s32 s7, s9;
	s10 =	sadd.s32 s10, s5;
	s16 =	ssub.s32 s6, s30  }
0xe: {  	s18 =	sadd.s32 s11, s2;
	s14 =	sadd.s32 s12, s3;
	s9 =	sshrl.u32 s9, $0x4  }
0xf: {  	s7 =	sadd.s32 $0x2600, s10;
	s10 =	sadd.s32 s11, s3;
	s11 =	sadd.s32 $0x1000, s14  }
0x10: {  	s12 =	sadd.s32 $0x2000, s14;
	s13 =	sadd.s32 $0x3000, s14;
	s14 =	sadd.s32 $0x4000, s14  }
0x11: {  	s16 =	smax.u32 s16, $0x1;
	s8 =	sadd.s32 s8, s5;
	s15 =	sadd.s32 s9, s5  }
0x12: {  	s5 =	sadd.s32 $0x16600, s8;
	s6 =	sadd.s32 $0xC600, s8;
	s8 =	sshll.u32 s0, $0x6  }
0x13: {  	v0 =	vimm.bf16 $0.0e+00;
	s18 =	sshrl.u32 s18, $0x3;
	s15 =	sadd.s32 $0x20600, s15;
	s9 =	sor.u32 $0x1C01, s8  }
.LBB2_1:
0x14: {  	[tilespmem:s4], [sflag:$0x1] =	stream.linear.gather [hbm4b:s5+s4], $0x2800, $0x38;
	[tilespmem:$0x11000] =	vst v63  }
0x15: {  	s0 =	simm.s32 $0x2800;
	s30 =	simm.s32 $0x80;
	s31 =	simm.s32 $0x0  }
0x16: {  	[tilespmem:s0], [sflag:$0x1] =	stream.linear.gather [hbm4b:s6+s4], $0x2800, $0x38;
	[tilespmem:$0x11000] =	vst v63  }
0x17: {  	[spmem:s18], [sflag:s9] =	dma.local [hbm:s7], $0xA00  }
.LBB2_2:
0x18: {  	p0 =	sne.s32 s30, $0x3F80;
	[tilespmem:s31+$0x5000] =	vst v0;
	s0 =	smov.u32 s30;
	s30 =	sadd.s32 $0x80, s30  }
.Ltmp0:
0x19: {  	[tilespmem:s31+$0x5010] =	vst v0;
	(pc) =	sbr.rel @p0 .LBB2_2-.Ltmp0, $2  }
0x1a: {  	_ =	sdelay $0x2  }
0x1b: {  	s31 =	sshra.s32 s0, $0x2  }
0x1c: {  	[tilespmem:s31+$0x5000] =	vst v0  }
0x1d: {  	[tilespmem:s31+$0x5010] =	vst v0  }
0x1e: {  	[spmem:s10] =	stream.linear.scatter [tilespmem:s19], [sflag:$0x2], $0x1000, $0x38;
	[tilespmem:$0x11000] =	vst v63  }
0x1f: {  	_ = 	snop  }
0x20: {  	[spmem:s11] =	stream.linear.scatter [tilespmem:s19], [sflag:$0x2], $0x1000, $0x38;
	[tilespmem:$0x11000] =	vst v63  }
0x21: {  	_ = 	snop  }
0x22: {  	[spmem:s12] =	stream.linear.scatter [tilespmem:s19], [sflag:$0x2], $0x1000, $0x38;
	[tilespmem:$0x11000] =	vst v63  }
0x23: {  	_ = 	snop  }
0x24: {  	[spmem:s13] =	stream.linear.scatter [tilespmem:s19], [sflag:$0x2], $0x1000, $0x38;
	[tilespmem:$0x11000] =	vst v63  }
0x25: {  	_ = 	snop  }
0x26: {  	[spmem:s14] =	stream.linear.scatter [tilespmem:s19], [sflag:$0x2], $0x1000, $0x38;
	[tilespmem:$0x11000] =	vst v63  }
0x27: {  	_ =	swait.ge [sflag:s20], $0x2800  }
0x28: {  	[sflag:s20] =	ssyncset.done $0x0  }
0x29: {  	[sflag:s20] =	ssyncadd.s32 $0xFFFFD800  }
0x2a: {  	_ =	swait.ge [sflag:s20], $0x2800  }
0x2b: {  	[sflag:s20] =	ssyncset.done $0x0  }
0x2c: {  	[sflag:s20] =	ssyncadd.s32 $0xFFFFD800  }
0x2d: {  	_ =	swait.ge [sflag:s20], $0xA00  }
0x2e: {  	[sflag:s20] =	ssyncset.done $0x0  }
0x2f: {  	[sflag:s20] =	ssyncadd.s32 $0xFFFFF600  }
0x30: {  	_ =	swait.ge [sflag:s21], $0x1000  }
0x31: {  	[sflag:s21] =	ssyncset.done $0x0  }
0x32: {  	[sflag:s21] =	ssyncadd.s32 $0xFFFFF000  }
0x33: {  	_ =	swait.ge [sflag:s21], $0x1000  }
0x34: {  	[sflag:s21] =	ssyncset.done $0x0  }
0x35: {  	[sflag:s21] =	ssyncadd.s32 $0xFFFFF000  }
0x36: {  	_ =	swait.ge [sflag:s21], $0x1000  }
0x37: {  	[sflag:s21] =	ssyncset.done $0x0  }
0x38: {  	[sflag:s21] =	ssyncadd.s32 $0xFFFFF000  }
0x39: {  	_ =	swait.ge [sflag:s21], $0x1000  }
0x3a: {  	[sflag:s21] =	ssyncset.done $0x0  }
0x3b: {  	[sflag:s21] =	ssyncadd.s32 $0xFFFFF000  }
0x3c: {  	_ =	swait.ge [sflag:s21], $0x1000  }
0x3d: {  	[sflag:s21] =	ssyncset.done $0x0  }
0x3e: {  	[sflag:s21] =	ssyncadd.s32 $0xFFFFF000  }
0x3f: {  	s0 =	simm.s32 $0x0;
	[bflag:$0x0] =	sbarrier.arrive $0xFFFF  }
0x40: {  	[tilespmem:s19], [sflag:$0x1] =	stream.indirect.gather [spmem:s2], $0x20, s0, s22, $0xb8;
	[tilespmem:$0x11000] =	vst v63  }
0x41: {  	s1 =	simm.s32 $0x80  }
0x42: {  	[tilespmem:s23], [sflag:$0x2] =	stream.indirect.gather [spmem:s2], $0x20, s1, s22, $0xb8;
	[tilespmem:$0x11000] =	vst v63  }
0x43: {  	_ =	swait.ge [sflag:s20], $0x1000  }
0x44: {  	[sflag:s20] =	ssyncset.done $0x0  }
0x45: {  	s17 =	simm.s32 $0x2800;
	[sflag:s20] =	ssyncadd.s32 $0xFFFFF000  }
0x46: {  	[spmem:s3] =	stream.indirect.scatter.add.bf16 [tilespmem:s19], [sflag:$0x3], $0x20, s17, s22, $0xb8;
	[tilespmem:$0x11000] =	vst v63  }
0x47: {  	_ =	swait.ge [sflag:s24], $0x1000  }
0x48: {  	[sflag:s24] =	ssyncset.done $0x0  }
0x49: {  	s1 =	simm.s32 $0x100;
	[sflag:s24] =	ssyncadd.s32 $0xFFFFF000  }
0x4a: {  	[tilespmem:s19], [sflag:$0x1] =	stream.indirect.gather [spmem:s2], $0x20, s1, s22, $0xb8;
	[tilespmem:$0x11000] =	vst v63  }
0x4b: {  	_ =	swait.ge [sflag:s21], $0x1000  }
0x4c: {  	[sflag:s21] =	ssyncset.done $0x0  }
0x4d: {  	s17 =	simm.s32 $0x2880;
	[sflag:s21] =	ssyncadd.s32 $0xFFFFF000  }
0x4e: {  	[spmem:s3] =	stream.indirect.scatter.add.bf16 [tilespmem:s23], [sflag:$0x3], $0x20, s17, s22, $0xb8;
	[tilespmem:$0x11000] =	vst v63  }
0x4f: {  	_ =	swait.ge [sflag:s24], $0x1000  }
0x50: {  	s31 =	simm.s32 $0x800;
	s30 =	simm.s32 $0x100;
	[sflag:s24] =	ssyncset.done $0x0  }
.LBB2_4:
0x51: {  	s0 =	sadd.s32 $0x80, s30  }
0x52: {  	[sflag:s24] =	ssyncadd.s32 $0xFFFFF000;
	s1 =	smov.u32 s31;
	s17 =	sadd.s32 $0x400, s31  }
0x53: {  	[tilespmem:s23], [sflag:$0x2] =	stream.indirect.gather [spmem:s2], $0x20, s0, s22, $0xb8;
	[tilespmem:$0x11000] =	vst v63  }
0x54: {  	p0 =	sne.s32 s31, $0x9800;
	_ =	swait.ge [sflag:s20], $0x1000  }
0x55: {  	[sflag:s20] =	ssyncset.done $0x0  }
0x56: {  	s0 =	sadd.s32 $0x2800, s30;
	[sflag:s20] =	ssyncadd.s32 $0xFFFFF000  }
0x57: {  	[spmem:s3] =	stream.indirect.scatter.add.bf16 [tilespmem:s19], [sflag:$0x3], $0x20, s0, s22, $0xb8;
	[tilespmem:$0x11000] =	vst v63  }
0x58: {  	_ =	swait.ge [sflag:s24], $0x1000  }
0x59: {  	[sflag:s24] =	ssyncset.done $0x0  }
0x5a: {  	s0 =	sadd.s32 $0x100, s30;
	[sflag:s24] =	ssyncadd.s32 $0xFFFFF000  }
0x5b: {  	[tilespmem:s19], [sflag:$0x1] =	stream.indirect.gather [spmem:s2], $0x20, s0, s22, $0xb8;
	[tilespmem:$0x11000] =	vst v63  }
0x5c: {  	_ =	swait.ge [sflag:s21], $0x1000  }
.Ltmp1:
0x5d: {  	[sflag:s21] =	ssyncset.done $0x0;
	(pc) =	sbr.rel @p0 .LBB2_4-.Ltmp1, $4  }
0x5e: {  	s0 =	sadd.s32 $0x2880, s30;
	[sflag:s21] =	ssyncadd.s32 $0xFFFFF000  }
0x5f: {  	[spmem:s3] =	stream.indirect.scatter.add.bf16 [tilespmem:s23], [sflag:$0x3], $0x20, s0, s22, $0xb8;
	[tilespmem:$0x11000] =	vst v63  }
0x60: {  	_ =	swait.ge [sflag:s24], $0x1000  }
0x61: {  	s31 =	smov.u32 s17;
	s30 =	sshra.s32 s1, $0x2;
	[sflag:s24] =	ssyncset.done $0x0  }
0x62: {  	s0 =	sadd.s32 $0x80, s30;
	[sflag:s24] =	ssyncadd.s32 $0xFFFFF000  }
0x63: {  	[tilespmem:s23], [sflag:$0x2] =	stream.indirect.gather [spmem:s2], $0x20, s0, s22, $0xb8;
	[tilespmem:$0x11000] =	vst v63  }
0x64: {  	_ =	swait.ge [sflag:s20], $0x1000  }
0x65: {  	[sflag:s20] =	ssyncset.done $0x0  }
0x66: {  	s1 =	sadd.s32 $0x2800, s30;
	[sflag:s20] =	ssyncadd.s32 $0xFFFFF000  }
0x67: {  	[spmem:s3] =	stream.indirect.scatter.add.bf16 [tilespmem:s19], [sflag:$0x3], $0x20, s1, s22, $0xb8;
	[tilespmem:$0x11000] =	vst v63  }
0x68: {  	_ =	swait.ge [sflag:s24], $0x1000  }
0x69: {  	[sflag:s24] =	ssyncset.done $0x0  }
0x6a: {  	s17 =	sadd.s32 $0x100, s30;
	[sflag:s24] =	ssyncadd.s32 $0xFFFFF000  }
0x6b: {  	[tilespmem:s19], [sflag:$0x1] =	stream.indirect.gather [spmem:s2], $0x20, s17, s22, $0xb8;
	[tilespmem:$0x11000] =	vst v63  }
0x6c: {  	_ =	swait.ge [sflag:s21], $0x1000  }
0x6d: {  	[sflag:s21] =	ssyncset.done $0x0  }
0x6e: {  	s30 =	sadd.s32 $0x2880, s30;
	[sflag:s21] =	ssyncadd.s32 $0xFFFFF000  }
0x6f: {  	[spmem:s3] =	stream.indirect.scatter.add.bf16 [tilespmem:s23], [sflag:$0x3], $0x20, s30, s22, $0xb8;
	[tilespmem:$0x11000] =	vst v63  }
0x70: {  	_ =	swait.ge [sflag:s24], $0x1000  }
0x71: {  	[sflag:s24] =	ssyncset.done $0x0  }
0x72: {  	[sflag:s24] =	ssyncadd.s32 $0xFFFFF000  }
0x73: {  	[tilespmem:s23], [sflag:$0x2] =	stream.indirect.gather [spmem:s2], $0x20, s25, s22, $0xb8;
	[tilespmem:$0x11000] =	vst v63  }
0x74: {  	_ =	swait.ge [sflag:s20], $0x1000  }
0x75: {  	[sflag:s20] =	ssyncset.done $0x0  }
0x76: {  	[sflag:s20] =	ssyncadd.s32 $0xFFFFF000  }
0x77: {  	[spmem:s3] =	stream.indirect.scatter.add.bf16 [tilespmem:s19], [sflag:$0x3], $0x20, s26, s22, $0xb8;
	[tilespmem:$0x11000] =	vst v63  }
0x78: {  	_ =	swait.ge [sflag:s24], $0x1000  }
0x79: {  	[sflag:s24] =	ssyncset.done $0x0  }
0x7a: {  	[sflag:s24] =	ssyncadd.s32 $0xFFFFF000  }
0x7b: {  	_ =	swait.ge [sflag:s21], $0x1000  }
0x7c: {  	[sflag:s21] =	ssyncset.done $0x0  }
0x7d: {  	[sflag:s21] =	ssyncadd.s32 $0xFFFFF000  }
0x7e: {  	[spmem:s3] =	stream.indirect.scatter.add.bf16 [tilespmem:s23], [sflag:$0x3], $0x20, s28, s22, $0xb8;
	[tilespmem:$0x11000] =	vst v63  }
0x7f: {  	_ =	swait.ge [sflag:s24], $0x1000  }
0x80: {  	s29 =	sadd.s32 $0x1, s29;
	[sflag:s24] =	ssyncset.done $0x0  }
0x81: {  	s31 =	sor.u32 $0x1C03, s8;
	p0 =	sne.s32 s29, s16;
	[sflag:s24] =	ssyncadd.s32 $0xFFFFF000  }
.Ltmp2:
0x82: {  	s1 =	sshrl.u32 s10, $0x3;
	[bflag:$0x0] =	sbarrier.arrive $0xFFFF;
	(pc) =	sbr.rel @p0 .LBB2_1-.Ltmp2, $4  }
0x83: {  	[hbm:s15], [sflag:s31] =	dma.local [spmem:s1], $0xA00  }
0x84: {  	_ =	swait.ge [sflag:s24], $0xA00  }
0x85: {  	[sflag:s24] =	ssyncset.done $0x0  }
0x86: {  	[sflag:s24] =	ssyncadd.s32 $0xFFFFF600  }
0x87: {  	_ =	sfence.sel $0x180000  }
0x88: {  	[bflag:$0x0] =	sbarrier.arrive $0xFFFF  }
0x89: {  	_ =	strace $0x9000004A  }
0x8a: {  	s0 =	stileid.u32;
	[bflag:$0x2] =	sbarrier.arrive $0xFFFF  }
0x8b: {  	p0 =	sne.s32 s0, $0x0;
	s0 =	rddreg [dreg:$0x3]  }
0x8c: {  	s0 =	sadd.s32 @!p0 $0x100000, s0  }
0x8d: {  	[sflag:s0] =	ssyncadd.tile.s32 @!p0 $0x1;
	_ =	shalt  }
.Lfunc_end2:
_tile_overlayer_lowered:
.L_overlay_start_2:
0x8e: {  	(tag) =	ssettag $0x2  }
0x8f: {  	s0 =	rddreg [dreg:$0x0];
	s2 =	stileid.u32  }
0x90: {  	s1 =	rddreg [dreg:$0x1];
	p0 =	sne.s32 s2, $0x0  }
0x91: {  	s3 =	rddreg [dreg:$0x2];
	[bflag:$0x3] =	sbarrier.arrive $0xFFFF;
	s2 =	simm.s32 @!p0 $0x1C03  }
0x92: {  	[timem:s3], [sflag:s2] =	dma.local @!p0 [hbm:s0], s1  }
0x93: {  	s0 =	simm.s32 @!p0 $0x3  }
0x94: {  	_ =	swait.ge @!p0 [sflag:s0], s1  }
0x95: {  	s1 =	ssub.s32 @!p0 $0x0, s1;
	[sflag:s0] =	ssyncset.done @!p0 $0x0  }
0x96: {  	[sflag:s0] =	ssyncadd.s32 @!p0 s1  }
0x97: {  	[bflag:$0x3] =	sbarrier.arrive $0xFFFF  }
0x98: {  	_ =	shalt  }

// kernel: kernel.7.cloned.1.call-start
scs
__scs_entry_jumppad:
0x0: {  	(pc) =	sbr.rel $0x88, $3  }
0x1: {  	(tag) =	ssettag $0x0;
	lr =	simm.s32 $0x1  }
0x2: {  	[smem:$0x3F96] =	sst lr;
	_ =	strace $0xD0000000  }
0x3: {  	_ = 	snop  }
0x4: {  	_ = 	snop  }
0x5: {  	_ = 	snop  }
0x6: {  	_ = 	snop  }
0x7: {  	_ = 	snop  }
__scs_overlays_trampoline_lowered:
0x8: {  	[smem:$0x3FA5] =	sst s0  }
0x9: {  	[smem:$0x3FA6] =	sst s1  }
0xa: {  	[smem:$0x3FA7] =	sst s2  }
0xb: {  	[smem:$0x3FA8] =	sst s3  }
0xc: {  	[smem:$0x3FA9] =	sst s4  }
0xd: {  	[smem:$0x3FAA] =	sst s5  }
0xe: {  	[smem:$0x3FAB] =	sst s6  }
0xf: {  	[smem:$0x3FAC] =	sst s7  }
0x10: {  	[smem:$0x3FAD] =	sst s8  }
0x11: {  	[smem:$0x3FAE] =	sst s9;
	s0 =	simm.s32 @!p0 $0x0  }
0x12: {  	s1 =	sld [smem:$0x3F94];
	s0 =	simm.s32 @p0 $0x1  }
0x13: {  	[smem:$0x3FAF] =	sst s0;
	s0 =	simm.s32 @!p1 $0x0  }
0x14: {  	s2 =	sld [smem:$0x3F93];
	s0 =	simm.s32 @p1 $0x1  }
0x15: {  	[smem:$0x3FB0] =	sst s0;
	s0 =	simm.s32 @!p2 $0x0  }
0x16: {  	s3 =	sld [smem:$0x3FDB];
	s0 =	simm.s32 @p2 $0x1  }
0x17: {  	s4 =	simm.s32 $0x1BF5;
	[smem:$0x3FB2] =	sst s0  }
0x18: {  	s0 =	sld [smem:$0x3F95];
	_ =	swait.ge [sflag:s4], $0x0  }
0x19: {  	s7 =	sld [smem:$0x3F96]  }
0x1a: {  	s8 =	sadd.s32 $0xFFFFE003, lr  }
0x1b: {  	s9 =	sadd.s32 $0xFFFFFEF7, lr;
	s5 =	simm.s32 $0xFFFFFFFF;
	p2 =	slt.u32 s8, $0xFFFFF086  }
0x1c: {  	p1 =	slt.u32 s9, $0xF7A;
	s5 =	simm.s32 @!p2 $0x0  }
0x1d: {  	s5 =	simm.s32 @p1 $0x1;
	p0 =	seq.s32 s7, s2  }
0x1e: {  	s7 =	smul.u32 @!p0 $0xF7A, s2;
	p2 =	seq.s32 @!p0 s5, $0x0  }
0x1f: {  	s9 =	smul.u32 $0xF7A, s1;
	s8 =	simm.s32 @!p0 $0x1BF5;
	p2 =	por !p2, p0  }
0x20: {  	[sflag:s8] =	ssyncset.s32 @!p0 $0xFFFFF086;
	s6 =	sadd.s32 @!p0 s3, s7;
	s7 =	simm.s32 @!p0 $0x108  }
0x21: {  	s3 =	sadd.s32 s3, s9;
	s6 =	sadd.s32 @!p0 $0x88, s6;
	s7 =	simm.s32 @p2 $0x1082  }
0x22: {  	[simem:s7], [sflag:s8] =	dma.local @!p0 [hbm:s6], $0xF7A  }
0x23: {  	s9 =	sor.u32 $0xD0000000, s2;
	s6 =	simm.s32 $0x108;
	_ =	swait.ge @!p0 [sflag:s8], $0x0  }
0x24: {  	s3 =	sadd.s32 $0x88, s3;
	s6 =	simm.s32 @!p1 $0x1082;
	[sflag:s4] =	ssyncset.s32 $0xFFFFF086  }
0x25: {  	[simem:s6], [sflag:s4] =	dma.local [hbm:s3], $0xF7A  }
0x26: {  	[smem:$0x3F96] =	sst s1;
	(tag) =	ssettag s2;
	_ =	strace s9  }
0x27: {  	s1 =	sld [smem:$0x3FA6]  }
0x28: {  	s2 =	sld [smem:$0x3FA7]  }
0x29: {  	s4 =	sld [smem:$0x3FA9]  }
0x2a: {  	p0 =	seq.s32 s5, $0x0;
	s5 =	sld [smem:$0x3FAA]  }
0x2b: {  	s6 =	sld [smem:$0x3FAB]  }
0x2c: {  	s7 =	sld [smem:$0x3FAC]  }
0x2d: {  	s3 =	simm.s32 $0x108;
	s8 =	sld [smem:$0x3FAD]  }
0x2e: {  	s3 =	simm.s32 @!p0 $0x1082;
	s9 =	sld [smem:$0x3FAE]  }
0x2f: {  	lr =	sadd.s32 s0, s3;
	s0 =	sld [smem:$0x3FA5]  }
0x30: {  	s3 =	sld [smem:$0x3FA8]  }
0x31: {  	[smem:$0x3FB1] =	sst s10  }
0x32: {  	s10 =	sld [smem:$0x3FAF];
	_ =	sdelay $0x3  }
0x33: {  	p0 =	seq.s32 s10, $0x1;
	s10 =	sld [smem:$0x3FB1];
	_ =	sdelay $0x3  }
0x34: {  	[smem:$0x3FB1] =	sst s10  }
0x35: {  	s10 =	sld [smem:$0x3FB0];
	_ =	sdelay $0x3  }
0x36: {  	p1 =	seq.s32 s10, $0x1;
	s10 =	sld [smem:$0x3FB1];
	_ =	sdelay $0x3  }
0x37: {  	[smem:$0x3FB1] =	sst s10  }
0x38: {  	s10 =	sld [smem:$0x3FB2]  }
0x39: {  	_ = 	snop;
	(pc) =	sbr.ind lr, $3  }
0x3a: {  	_ = 	snop  }
0x3b: {  	_ = 	snop  }
0x3c: {  	p2 =	seq.s32 s10, $0x1;
	s10 =	sld [smem:$0x3FB1]  }
0x3d: {  	_ =	shalt  }
0x3e: {  	_ =	shalt  }
0x3f: {  	_ =	shalt  }
0x40: {  	_ =	shalt  }
0x41: {  	_ =	shalt  }
0x42: {  	_ =	shalt  }
0x43: {  	_ =	shalt  }
0x44: {  	_ =	shalt  }
0x45: {  	_ =	shalt  }
0x46: {  	_ =	shalt  }
0x47: {  	_ =	shalt  }
0x48: {  	_ =	shalt  }
0x49: {  	_ =	shalt  }
0x4a: {  	_ =	shalt  }
0x4b: {  	_ =	shalt  }
0x4c: {  	_ =	shalt  }
0x4d: {  	_ =	shalt  }
0x4e: {  	_ =	shalt  }
0x4f: {  	_ =	shalt  }
0x50: {  	_ =	shalt  }
0x51: {  	_ =	shalt  }
0x52: {  	_ =	shalt  }
0x53: {  	_ =	shalt  }
0x54: {  	_ =	shalt  }
0x55: {  	_ =	shalt  }
0x56: {  	_ =	shalt  }
0x57: {  	_ =	shalt  }
0x58: {  	_ =	shalt  }
0x59: {  	_ =	shalt  }
0x5a: {  	_ =	shalt  }
0x5b: {  	_ =	shalt  }
0x5c: {  	_ =	shalt  }
0x5d: {  	_ =	shalt  }
0x5e: {  	_ =	shalt  }
0x5f: {  	_ =	shalt  }
0x60: {  	_ =	shalt  }
0x61: {  	_ =	shalt  }
0x62: {  	_ =	shalt  }
0x63: {  	_ =	shalt  }
0x64: {  	_ =	shalt  }
0x65: {  	_ =	shalt  }
0x66: {  	_ =	shalt  }
0x67: {  	_ =	shalt  }
0x68: {  	_ =	shalt  }
0x69: {  	_ =	shalt  }
0x6a: {  	_ =	shalt  }
0x6b: {  	_ =	shalt  }
0x6c: {  	_ =	shalt  }
0x6d: {  	_ =	shalt  }
0x6e: {  	_ =	shalt  }
0x6f: {  	_ =	shalt  }
0x70: {  	_ =	shalt  }
0x71: {  	_ =	shalt  }
0x72: {  	_ =	shalt  }
0x73: {  	_ =	shalt  }
0x74: {  	_ =	shalt  }
0x75: {  	_ =	shalt  }
0x76: {  	_ =	shalt  }
0x77: {  	_ =	shalt  }
0x78: {  	_ =	shalt  }
0x79: {  	_ =	shalt  }
0x7a: {  	_ =	shalt  }
0x7b: {  	_ =	shalt  }
0x7c: {  	_ =	shalt  }
0x7d: {  	_ =	shalt  }
0x7e: {  	_ =	shalt  }
0x7f: {  	_ =	shalt  }
0x80: {  	_ =	shalt  }
0x81: {  	_ =	shalt  }
0x82: {  	_ =	shalt  }
0x83: {  	_ =	shalt  }
0x84: {  	_ =	shalt  }
0x85: {  	_ =	shalt  }
0x86: {  	_ =	shalt  }
0x87: {  	_ =	shalt  }
.Lfunc_end0:
.L_simem_size_0:
called_computation_lowered:
.L_overlay_start_0:
0x88: {  	s2 =	sld [smem:$0x3FD9]  }
0x89: {  	s3 =	sld [smem:$0x3FFE];
	_ =	sdelay $0x1  }
0x8a: {  	s1 =	srdreg.scid  }
0x8b: {  	s0 =	sand.u32 $0x1, s1  }
0x8c: {  	s16 =	sshll.u32 s0, $0xA;
	s2 =	sadd.s32 s3, s2  }
0x8d: {  	s2 =	sadd.s32 s2, s16  }
0x8e: {  	[smem:$0x3FBD] =	sst s2  }
0x8f: {  	_ = 	snop  }
0x90: {  	(tm) =	ssettm $0x1  }
0x91: {  	s17 =	sld [smem:$0x3FFB];
	_ =	sdelay $0x3  }
0x92: {  	_ =	strace s17  }
0x93: {  	s2 =	sld [smem:$0x3FFC];
	_ =	sdelay $0x3  }
0x94: {  	_ =	strace s2  }
0x95: {  	s2 =	sld [smem:$0x3FFD];
	_ =	sdelay $0x3  }
0x96: {  	_ =	strace s2  }
0x97: {  	_ =	strace $0x8FFFFFFF  }
0x98: {  	s18 =	sld [smem:$0x3FDB];
	_ =	sdelay $0x1  }
0x99: {  	s19 =	simm.s32 $_scs_section_size  }
0x9a: {  	s4 =	simm.s32 $_size__tile_overlayer_lowered;
	s5 =	simm.s32 $_tile_overlayer_lowered  }
0x9b: {  	s22 =	simm.s32 $0x1BFF;
	s21 =	sshll.u32 s5, $0x1;
	s2 =	sadd.s32 s19, s18  }
0x9c: {  	s6 =	simm.s32 $0x0;
	s20 =	sshll.u32 s4, $0x1;
	s4 =	sadd.s32 s21, s2  }
0x9d: {  	[timem:s6], [sflag:s22] =	dma.local [hbm:s4], s20  }
0x9e: {  	_ =	swait.ge [sflag:s22], s20  }
0x9f: {  	s3 =	ssub.s32 $0x0, s20;
	[sflag:s22] =	ssyncset.done $0x0  }
0xa0: {  	[sflag:s22] =	ssyncadd.s32 s3;
	_ =	sdelay $0x1  }
0xa1: {  	s23 =	simm.s32 $0x1B8B  }
0xa2: {  	_ =	swait.ge [sflag:s23], $0x1  }
0xa3: {  	[sflag:s23] =	ssyncset.done $0x0  }
0xa4: {  	s25 =	simm.s32 $0x1B8E;
	s24 =	sld [smem:$0x3FFE];
	[sflag:s23] =	ssyncadd.s32 $0xFFFFFFFF  }
0xa5: {  	s26 =	simm.s32 $execute0_lowered;
	[smem:$0x3FD2] =	sst s25  }
0xa6: {  	s4 =	sshll.u32 s26, $0x1;
	_ =	strace $0x80000046;
	[dreg:$0x1] =	wrdreg $0xFFFFFFFF  }
0xa7: {  	s28 =	simm.s32 $_size_execute0_lowered;
	s2 =	sadd.s32 s2, s4;
	[dreg:$0x0] =	wrdreg $0x0  }
0xa8: {  	s4 =	sshll.u32 s28, $0x1;
	[dreg:$0x2] =	wrdreg s2  }
0xa9: {  	[dreg:$0x3] =	wrdreg s4  }
0xaa: {  	[dreg:$0x4] =	wrdreg $0xC0  }
0xab: {  	_ =	task [dreg:s6], $0x5FFFF  }
0xac: {  	[dreg:$0x1] =	wrdreg $0xFFFFFFFF  }
0xad: {  	[dreg:$0x0] =	wrdreg $0x60  }
0xae: {  	[dreg:$0x2] =	wrdreg s24  }
0xaf: {  	[dreg:$0x3] =	wrdreg $0xC0000  }
0xb0: {  	[dreg:$0x4] =	wrdreg $0x70000  }
0xb1: {  	[dreg:$0x5] =	wrdreg $0x113000  }
0xb2: {  	[dreg:$0x6] =	wrdreg $0x9  }
0xb3: {  	_ =	task.clear_ibuf [dreg:s6], $0x7FFFF;
	_ =	strace $0x90000046  }
0xb4: {  	s29 =	simm.s32 $0x9;
	_ =	strace $0x80000048  }
0xb5: {  	_ =	swait.ge [sflag:s29], $0x1  }
0xb6: {  	[sflag:s29] =	ssyncadd.s32 $0xFFFFFFFF  }
0xb7: {  	_ =	strace $0x90000048  }
0xb8: {  	_ =	sfence  }
0xb9: {  	s30 =	sld [smem:$0x0];
	_ =	sdelay $0x2  }
0xba: {  	s31 =	sshll.u32 s1, $0xD;
	s1 =	sshrl.u32 s1, $0x2  }
0xbb: {  	s3 =	sand.u32 $0x4000, s31;
	s1 =	sadd.s32 s1, s30  }
0xbc: {  	s0 =	sor.u32 s3, s0;
	s1 =	sshll.u32 s1, $0x11  }
0xbd: {  	s0 =	sor.u32 s1, s0  }
0xbe: {  	s0 =	sadd.s32 $0x8F2B, s0  }
0xbf: {  	[sflag:s0] =	ssyncadd.remote.s32 $0x1  }
0xc0: {  	_ =	sfence.sel $0xFFFF  }
0xc1: {  	[dreg:$0x0] =	wrdreg $0xFFFFFFFF;
	(pc) =	sbr.abs _section_cstart, $3  }
0xc2: {  	[dreg:$0x1] =	wrdreg $0xFFFFFFFF  }
0xc3: {  	_ =	task.clear_ibuf [dreg:s6], $0x2FFFF;
	_ =	strace $0x9FFFFFFF  }
0xc4: {  	(tm) =	ssettm $0x7FFFFFFF  }
0xc5: {  	_ =	shalt  }
tec
execute0_lowered:
.L_overlay_start_1:
0x0: {  	(tag) =	ssettag $0x1  }
0x1: {  	s0 =	rddreg [dreg:$0x0]  }
0x2: {  	s1 =	rddreg [dreg:$0x1]  }
0x3: {  	s2 =	rddreg [dreg:$0x2]  }
0x4: {  	s3 =	rddreg [dreg:$0x3]  }
0x5: {  	s4 =	stileid.u32;
	s5 =	srdreg.scid  }
0x6: {  	s6 =	simm.s32 $0x0;
	s28 =	simm.s32 $0x6000;
	s7 =	smul.u32 $0xA000, s4  }
0x7: {  	s29 =	simm.s32 $0x11280;
	s31 =	simm.s32 $0x4F00;
	s23 =	smul.u32 $0x14000, s4  }
0x8: {  	s5 =	sand.u32 $0x1, s5;
	[smem:$0x7FF] =	sst s6;
	s15 =	smul.u32 $0xA00, s4  }
0x9: {  	p0 =	sne.s32 s4, $0x0;
	s21 =	sshll.u32 s5, $0x4;
	s8 =	smul.u32 $0xA0000, s5  }
0xa: {  	_ =	strace $0x80000047;
	s10 =	smul.u32 $0x500, s5;
	s5 =	ssub.s32 $0x2, s5  }
0xb: {  	s9 =	sshrl.u32 s7, $0x4;
	s6 =	sor.u32 s4, s21;
	s22 =	sshrl.u32 s5, $0x1  }
0xc: {  	s25 =	sshrl.u32 s7, $0x1;
	s30 =	sshrl.u32 s23, $0x2;
	s15 =	sshrl.u32 s15, $0x2  }
0xd: {  	s21 =	simm.s32 $0x5000;
	s23 =	simm.s32 $0x2;
	s9 =	sadd.s32 s9, s0  }
0xe: {  	s6 =	smul.u32 $0x500, s6;
	s8 =	sadd.s32 s7, s8;
	s5 =	ssub.s32 s5, s22  }
0xf: {  	s19 =	sadd.s32 s25, s1;
	s14 =	sadd.s32 s30, s2;
	s15 =	sadd.s32 s15, s3  }
0x10: {  	s22 =	simm.s32 $0x1;
	s8 =	sshrl.u32 s8, $0x4;
	s26 =	sadd.s32 $0x2600, s9  }
0x11: {  	s11 =	sadd.s32 $0x1000, s14;
	s12 =	sadd.s32 $0x2000, s14;
	s13 =	sadd.s32 $0x3000, s14  }
0x12: {  	s14 =	sadd.s32 $0x4000, s14;
	s18 =	smax.u32 s5, $0x1;
	s20 =	sshrl.u32 s19, $0x3  }
0x13: {  	s19 =	simm.s32 $0x3;
	s6 =	sadd.s32 s6, s0;
	s16 =	sadd.s32 s8, s0  }
0x14: {  	s0 =	sadd.s32 s10, s0;
	[dreg:$0x7] =	wrdreg s26;
	s8 =	sshll.u32 s4, $0x6  }
0x15: {  	s10 =	sadd.s32 s25, s2;
	s25 =	simm.s32 $0x4;
	s26 =	simm.s32 $0x80  }
0x16: {  	s24 =	sadd.s32 $0x16600, s6;
	s6 =	sadd.s32 $0xC600, s6;
	s9 =	sor.u32 $0x1C01, s8  }
0x17: {  	s16 =	sadd.s32 $0x21000, s16;
	s17 =	sadd.s32 $0x20600, s0;
	[dreg:$0x5] =	wrdreg s24  }
0x18: {  	v0 =	vimm.bf16 $0.0e+00;
	v1 =	vimm.f32 $0.0e+00;
	v2 =	vimm.f32 $1.000000000e+00;
	s0 =	simm.s32 $0x4F80;
	[dreg:$0x6] =	wrdreg s6;
	s24 =	simm.s32 $0x0  }
.LBB2_1:
0x19: {  	s4 =	simm.s32 $0x0;
	s5 =	rddreg [dreg:$0x5]  }
0x1a: {  	[tilespmem:s4], [sflag:$0x1] =	stream.linear.gather [hbm4b:s5+s4], $0x2800, $0x38;
	[tilespmem:$0x11580] =	vst v63  }
0x1b: {  	s7 =	rddreg [dreg:$0x6];
	s6 =	simm.s32 $0x2800  }
0x1c: {  	[tilespmem:s6], [sflag:$0x1] =	stream.linear.gather [hbm4b:s7+s4], $0x2800, $0x38;
	[tilespmem:$0x11580] =	vst v63  }
0x1d: {  	s30 =	rddreg [dreg:$0x7];
	s5 =	simm.s32 $0x0;
	s4 =	simm.s32 $0x80  }
0x1e: {  	[spmem:s20], [sflag:s9] =	dma.local [hbm:s30], $0xA00  }
.LBB2_2:
0x1f: {  	p1 =	sne.s32 s4, $0x3F80;
	[tilespmem:s5+$0x5000] =	vst v0;
	s30 =	smov.u32 s4;
	s4 =	sadd.s32 $0x80, s4  }
.Ltmp0:
0x20: {  	[tilespmem:s5+$0x5010] =	vst v0;
	(pc) =	sbr.rel @p1 .LBB2_2-.Ltmp0, $2  }
0x21: {  	_ =	sdelay $0x2  }
0x22: {  	s5 =	sshra.s32 s30, $0x2  }
0x23: {  	[tilespmem:s5+$0x5000] =	vst v0  }
0x24: {  	[tilespmem:s5+$0x5010] =	vst v0  }
0x25: {  	[spmem:s10] =	stream.linear.scatter [tilespmem:s21], [sflag:$0x2], $0x1000, $0x38;
	[tilespmem:$0x11580] =	vst v63  }
0x26: {  	_ = 	snop  }
0x27: {  	[spmem:s11] =	stream.linear.scatter [tilespmem:s21], [sflag:$0x2], $0x1000, $0x38;
	[tilespmem:$0x11580] =	vst v63  }
0x28: {  	_ = 	snop  }
0x29: {  	[spmem:s12] =	stream.linear.scatter [tilespmem:s21], [sflag:$0x2], $0x1000, $0x38;
	[tilespmem:$0x11580] =	vst v63  }
0x2a: {  	_ = 	snop  }
0x2b: {  	[spmem:s13] =	stream.linear.scatter [tilespmem:s21], [sflag:$0x2], $0x1000, $0x38;
	[tilespmem:$0x11580] =	vst v63  }
0x2c: {  	_ = 	snop  }
0x2d: {  	[spmem:s14] =	stream.linear.scatter [tilespmem:s21], [sflag:$0x2], $0x1000, $0x38;
	[tilespmem:$0x11580] =	vst v63  }
0x2e: {  	_ =	swait.ge [sflag:s22], $0x2800  }
0x2f: {  	[sflag:s22] =	ssyncset.done $0x0  }
0x30: {  	[sflag:s22] =	ssyncadd.s32 $0xFFFFD800  }
0x31: {  	_ =	swait.ge [sflag:s22], $0x2800  }
0x32: {  	[sflag:s22] =	ssyncset.done $0x0  }
0x33: {  	[sflag:s22] =	ssyncadd.s32 $0xFFFFD800  }
0x34: {  	_ =	swait.ge [sflag:s22], $0xA00  }
0x35: {  	[sflag:s22] =	ssyncset.done $0x0  }
0x36: {  	[sflag:s22] =	ssyncadd.s32 $0xFFFFF600  }
0x37: {  	_ =	swait.ge [sflag:s23], $0x1000  }
0x38: {  	[sflag:s23] =	ssyncset.done $0x0  }
0x39: {  	[sflag:s23] =	ssyncadd.s32 $0xFFFFF000  }
0x3a: {  	_ =	swait.ge [sflag:s23], $0x1000  }
0x3b: {  	[sflag:s23] =	ssyncset.done $0x0  }
0x3c: {  	[sflag:s23] =	ssyncadd.s32 $0xFFFFF000  }
0x3d: {  	_ =	swait.ge [sflag:s23], $0x1000  }
0x3e: {  	[sflag:s23] =	ssyncset.done $0x0  }
0x3f: {  	[sflag:s23] =	ssyncadd.s32 $0xFFFFF000  }
0x40: {  	_ =	swait.ge [sflag:s23], $0x1000  }
0x41: {  	[sflag:s23] =	ssyncset.done $0x0  }
0x42: {  	[sflag:s23] =	ssyncadd.s32 $0xFFFFF000  }
0x43: {  	_ =	swait.ge [sflag:s23], $0x1000  }
0x44: {  	[sflag:s23] =	ssyncset.done $0x0  }
0x45: {  	[sflag:s23] =	ssyncadd.s32 $0xFFFFF000  }
0x46: {  	[tilespmem:$0x11000] =	vst v1  }
0x47: {  	[tilespmem:$0x11010] =	vst v1  }
0x48: {  	[tilespmem:$0x11020] =	vst v1  }
0x49: {  	[tilespmem:$0x11030] =	vst v1  }
0x4a: {  	[tilespmem:$0x11040] =	vst v1  }
0x4b: {  	[tilespmem:$0x11050] =	vst v1  }
0x4c: {  	[tilespmem:$0x11060] =	vst v1  }
0x4d: {  	[tilespmem:$0x11070] =	vst v1  }
0x4e: {  	[tilespmem:$0x11080] =	vst v1  }
0x4f: {  	[tilespmem:$0x11090] =	vst v1  }
0x50: {  	[tilespmem:$0x110A0] =	vst v1  }
0x51: {  	[tilespmem:$0x110B0] =	vst v1  }
0x52: {  	[tilespmem:$0x110C0] =	vst v1  }
0x53: {  	[tilespmem:$0x110D0] =	vst v1  }
0x54: {  	[tilespmem:$0x110E0] =	vst v1  }
0x55: {  	[tilespmem:$0x110F0] =	vst v1  }
0x56: {  	[tilespmem:$0x11100] =	vst v1  }
0x57: {  	[tilespmem:$0x11110] =	vst v1  }
0x58: {  	[tilespmem:$0x11120] =	vst v1  }
0x59: {  	[tilespmem:$0x11130] =	vst v1  }
0x5a: {  	[tilespmem:$0x11140] =	vst v1  }
0x5b: {  	[tilespmem:$0x11150] =	vst v1  }
0x5c: {  	[tilespmem:$0x11160] =	vst v1  }
0x5d: {  	[tilespmem:$0x11170] =	vst v1  }
0x5e: {  	[tilespmem:$0x11180] =	vst v1  }
0x5f: {  	[tilespmem:$0x11190] =	vst v1  }
0x60: {  	[tilespmem:$0x111A0] =	vst v1  }
0x61: {  	[tilespmem:$0x111B0] =	vst v1  }
0x62: {  	[tilespmem:$0x111C0] =	vst v1  }
0x63: {  	[tilespmem:$0x111D0] =	vst v1  }
0x64: {  	[tilespmem:$0x111E0] =	vst v1  }
0x65: {  	[tilespmem:$0x111F0] =	vst v1  }
0x66: {  	[tilespmem:$0x11200] =	vst v1  }
0x67: {  	[tilespmem:$0x11210] =	vst v1  }
0x68: {  	[tilespmem:$0x11220] =	vst v1  }
0x69: {  	[tilespmem:$0x11230] =	vst v1  }
0x6a: {  	[tilespmem:$0x11240] =	vst v1  }
0x6b: {  	[tilespmem:$0x11250] =	vst v1  }
0x6c: {  	[tilespmem:$0x11260] =	vst v1  }
0x6d: {  	s4 =	simm.s32 $0x11000;
	[tilespmem:$0x11270] =	vst v1  }
0x6e: {  	[spmem:s15] =	stream.linear.scatter [tilespmem:s4], [sflag:$0x4], $0x280, $0x38;
	[tilespmem:$0x11580] =	vst v63  }
0x6f: {  	_ =	swait.ge [sflag:s25], $0x280  }
0x70: {  	[sflag:s25] =	ssyncset.done $0x0  }
0x71: {  	[sflag:s25] =	ssyncadd.s32 $0xFFFFFD80  }
0x72: {  	[tilespmem:$0x11280] =	vst v2  }
0x73: {  	[tilespmem:$0x11290] =	vst v2  }
0x74: {  	[tilespmem:$0x112A0] =	vst v2  }
0x75: {  	[tilespmem:$0x112B0] =	vst v2  }
0x76: {  	[tilespmem:$0x112C0] =	vst v2  }
0x77: {  	[tilespmem:$0x112D0] =	vst v2  }
0x78: {  	[tilespmem:$0x112E0] =	vst v2  }
0x79: {  	[tilespmem:$0x112F0] =	vst v2  }
0x7a: {  	s7 =	simm.s32 $0x0;
	[bflag:$0x0] =	sbarrier.arrive $0xFFFF  }
0x7b: {  	[tilespmem:s21], [sflag:$0x1] =	stream.indirect.gather [spmem:s1], $0x20, s7, s26, $0xb8;
	[tilespmem:$0x11580] =	vst v63  }
0x7c: {  	s5 =	simm.s32 $0x80  }
0x7d: {  	[tilespmem:s28], [sflag:$0x2] =	stream.indirect.gather [spmem:s1], $0x20, s5, s26, $0xb8;
	[tilespmem:$0x11580] =	vst v63  }
0x7e: {  	_ =	swait.ge [sflag:s22], $0x1000  }
0x7f: {  	[sflag:s22] =	ssyncset.done $0x0  }
0x80: {  	s6 =	simm.s32 $0x2800;
	[sflag:s22] =	ssyncadd.s32 $0xFFFFF000  }
0x81: {  	[spmem:s2] =	stream.indirect.scatter.add.bf16 [tilespmem:s21], [sflag:$0x4], $0x20, s6, s26, $0xb8;
	[tilespmem:$0x11580] =	vst v63  }
0x82: {  	_ =	swait.ge [sflag:s25], $0x1000  }
0x83: {  	[sflag:s25] =	ssyncset.done $0x0  }
0x84: {  	[sflag:s25] =	ssyncadd.s32 $0xFFFFF000  }
0x85: {  	[spmem:s3] =	stream.indirect.scatter.add.f32 [tilespmem:s29], [sflag:$0x3], $0x1, s6, s26, $0xb8;
	[tilespmem:$0x11580] =	vst v63  }
0x86: {  	s7 =	simm.s32 $0x100  }
0x87: {  	[tilespmem:s21], [sflag:$0x1] =	stream.indirect.gather [spmem:s1], $0x20, s7, s26, $0xb8;
	[tilespmem:$0x11580] =	vst v63  }
0x88: {  	_ =	swait.ge [sflag:s23], $0x1000  }
0x89: {  	[sflag:s23] =	ssyncset.done $0x0  }
0x8a: {  	s4 =	simm.s32 $0x2880;
	[sflag:s23] =	ssyncadd.s32 $0xFFFFF000  }
0x8b: {  	[spmem:s2] =	stream.indirect.scatter.add.bf16 [tilespmem:s28], [sflag:$0x4], $0x20, s4, s26, $0xb8;
	[tilespmem:$0x11580] =	vst v63  }
0x8c: {  	_ =	swait.ge [sflag:s25], $0x1000  }
0x8d: {  	[sflag:s25] =	ssyncset.done $0x0  }
0x8e: {  	s30 =	simm.s32 $0x100;
	s5 =	simm.s32 $0x800;
	[sflag:s25] =	ssyncadd.s32 $0xFFFFF000  }
.LBB2_4:
0x8f: {  	[spmem:s3] =	stream.indirect.scatter.add.f32 [tilespmem:s29], [sflag:$0x3], $0x1, s4, s26, $0xb8;
	[tilespmem:$0x11580] =	vst v63  }
0x90: {  	s4 =	smov.u32 s5  }
0x91: {  	s7 =	sadd.s32 $0x400, s5;
	s6 =	sshra.s32 s4, $0x2;
	s4 =	sadd.s32 $0x80, s30  }
0x92: {  	[tilespmem:s28], [sflag:$0x2] =	stream.indirect.gather [spmem:s1], $0x20, s4, s26, $0xb8;
	[tilespmem:$0x11580] =	vst v63  }
0x93: {  	p1 =	sne.s32 s5, $0x9800;
	_ =	swait.ge [sflag:s22], $0x1000  }
0x94: {  	[sflag:s22] =	ssyncset.done $0x0  }
0x95: {  	s4 =	sadd.s32 $0x2800, s30;
	[sflag:s22] =	ssyncadd.s32 $0xFFFFF000  }
0x96: {  	[spmem:s2] =	stream.indirect.scatter.add.bf16 [tilespmem:s21], [sflag:$0x4], $0x20, s4, s26, $0xb8;
	[tilespmem:$0x11580] =	vst v63  }
0x97: {  	_ =	swait.ge [sflag:s25], $0x1000  }
0x98: {  	[sflag:s25] =	ssyncset.done $0x0  }
0x99: {  	[sflag:s25] =	ssyncadd.s32 $0xFFFFF000  }
0x9a: {  	[spmem:s3] =	stream.indirect.scatter.add.f32 [tilespmem:s29], [sflag:$0x3], $0x1, s4, s26, $0xb8;
	[tilespmem:$0x11580] =	vst v63  }
0x9b: {  	s4 =	sadd.s32 $0x100, s30  }
0x9c: {  	[tilespmem:s21], [sflag:$0x1] =	stream.indirect.gather [spmem:s1], $0x20, s4, s26, $0xb8;
	[tilespmem:$0x11580] =	vst v63  }
0x9d: {  	_ =	swait.ge [sflag:s23], $0x1000  }
0x9e: {  	[sflag:s23] =	ssyncset.done $0x0  }
.Ltmp1:
0x9f: {  	s4 =	sadd.s32 $0x2880, s30;
	[sflag:s23] =	ssyncadd.s32 $0xFFFFF000;
	(pc) =	sbr.rel @p1 .LBB2_4-.Ltmp1, $4  }
0xa0: {  	[spmem:s2] =	stream.indirect.scatter.add.bf16 [tilespmem:s28], [sflag:$0x4], $0x20, s4, s26, $0xb8;
	[tilespmem:$0x11580] =	vst v63  }
0xa1: {  	s30 =	smov.u32 s6;
	_ =	swait.ge [sflag:s25], $0x1000  }
0xa2: {  	[sflag:s25] =	ssyncset.done $0x0  }
0xa3: {  	s5 =	smov.u32 s7;
	[sflag:s25] =	ssyncadd.s32 $0xFFFFF000  }
0xa4: {  	[spmem:s3] =	stream.indirect.scatter.add.f32 [tilespmem:s29], [sflag:$0x3], $0x1, s4, s26, $0xb8;
	[tilespmem:$0x11580] =	vst v63  }
0xa5: {  	s7 =	sadd.s32 $0x80, s30  }
0xa6: {  	[tilespmem:s28], [sflag:$0x2] =	stream.indirect.gather [spmem:s1], $0x20, s7, s26, $0xb8;
	[tilespmem:$0x11580] =	vst v63  }
0xa7: {  	_ =	swait.ge [sflag:s22], $0x1000  }
0xa8: {  	[sflag:s22] =	ssyncset.done $0x0  }
0xa9: {  	s5 =	sadd.s32 $0x2800, s30;
	[sflag:s22] =	ssyncadd.s32 $0xFFFFF000  }
0xaa: {  	[spmem:s2] =	stream.indirect.scatter.add.bf16 [tilespmem:s21], [sflag:$0x4], $0x20, s5, s26, $0xb8;
	[tilespmem:$0x11580] =	vst v63  }
0xab: {  	_ =	swait.ge [sflag:s25], $0x1000  }
0xac: {  	[sflag:s25] =	ssyncset.done $0x0  }
0xad: {  	[sflag:s25] =	ssyncadd.s32 $0xFFFFF000  }
0xae: {  	[spmem:s3] =	stream.indirect.scatter.add.f32 [tilespmem:s29], [sflag:$0x3], $0x1, s5, s26, $0xb8;
	[tilespmem:$0x11580] =	vst v63  }
0xaf: {  	s6 =	sadd.s32 $0x100, s30  }
0xb0: {  	[tilespmem:s21], [sflag:$0x1] =	stream.indirect.gather [spmem:s1], $0x20, s6, s26, $0xb8;
	[tilespmem:$0x11580] =	vst v63  }
0xb1: {  	_ =	swait.ge [sflag:s23], $0x1000  }
0xb2: {  	[sflag:s23] =	ssyncset.done $0x0  }
0xb3: {  	s7 =	sadd.s32 $0x2880, s30;
	[sflag:s23] =	ssyncadd.s32 $0xFFFFF000  }
0xb4: {  	[spmem:s2] =	stream.indirect.scatter.add.bf16 [tilespmem:s28], [sflag:$0x4], $0x20, s7, s26, $0xb8;
	[tilespmem:$0x11580] =	vst v63  }
0xb5: {  	_ =	swait.ge [sflag:s25], $0x1000  }
0xb6: {  	[sflag:s25] =	ssyncset.done $0x0  }
0xb7: {  	[sflag:s25] =	ssyncadd.s32 $0xFFFFF000  }
0xb8: {  	[spmem:s3] =	stream.indirect.scatter.add.f32 [tilespmem:s29], [sflag:$0x3], $0x1, s7, s26, $0xb8;
	[tilespmem:$0x11580] =	vst v63  }
0xb9: {  	s30 =	simm.s32 $0x2780  }
0xba: {  	[tilespmem:s28], [sflag:$0x2] =	stream.indirect.gather [spmem:s1], $0x20, s30, s26, $0xb8;
	[tilespmem:$0x11580] =	vst v63  }
0xbb: {  	_ =	swait.ge [sflag:s22], $0x1000  }
0xbc: {  	[sflag:s22] =	ssyncset.done $0x0  }
0xbd: {  	[sflag:s22] =	ssyncadd.s32 $0xFFFFF000  }
0xbe: {  	[spmem:s2] =	stream.indirect.scatter.add.bf16 [tilespmem:s21], [sflag:$0x4], $0x20, s31, s26, $0xb8;
	[tilespmem:$0x11580] =	vst v63  }
0xbf: {  	_ =	swait.ge [sflag:s25], $0x1000  }
0xc0: {  	[sflag:s25] =	ssyncset.done $0x0  }
0xc1: {  	[sflag:s25] =	ssyncadd.s32 $0xFFFFF000  }
0xc2: {  	[spmem:s3] =	stream.indirect.scatter.add.f32 [tilespmem:s29], [sflag:$0x3], $0x1, s31, s26, $0xb8;
	[tilespmem:$0x11580] =	vst v63  }
0xc3: {  	_ =	swait.ge [sflag:s23], $0x1000  }
0xc4: {  	[sflag:s23] =	ssyncset.done $0x0  }
0xc5: {  	[sflag:s23] =	ssyncadd.s32 $0xFFFFF000  }
0xc6: {  	[spmem:s2] =	stream.indirect.scatter.add.bf16 [tilespmem:s28], [sflag:$0x4], $0x20, s0, s26, $0xb8;
	[tilespmem:$0x11580] =	vst v63  }
0xc7: {  	_ =	swait.ge [sflag:s25], $0x1000  }
0xc8: {  	[sflag:s25] =	ssyncset.done $0x0  }
0xc9: {  	[sflag:s25] =	ssyncadd.s32 $0xFFFFF000  }
0xca: {  	[spmem:s3] =	stream.indirect.scatter.add.f32 [tilespmem:s29], [sflag:$0x3], $0x1, s0, s26, $0xb8;
	[tilespmem:$0x11580] =	vst v63  }
0xcb: {  	_ =	swait.ge [sflag:s19], $0x80  }
0xcc: {  	s4 =	simm.s32 $0x4F;
	[sflag:s19] =	ssyncset.done $0x0  }
.LBB2_6:
0xcd: {  	p1 =	sne.s32 s4, $0x1;
	s4 =	sadd.s32 $0xFFFFFFFF, s4;
	[sflag:s19] =	ssyncadd.s32 $0xFFFFFF80  }
.Ltmp2:
0xce: {  	(pc) =	sbr.rel @p1 .LBB2_6-.Ltmp2, $3  }
0xcf: {  	_ =	sdelay $0x1  }
0xd0: {  	_ =	swait.ge [sflag:s19], $0x80  }
0xd1: {  	[sflag:s19] =	ssyncset.done $0x0  }
0xd2: {  	[sflag:s19] =	ssyncadd.s32 $0xFFFFFF80  }
0xd3: {  	s4 =	sor.u32 $0x1C04, s8;
	s5 =	sshrl.u32 s10, $0x3;
	[bflag:$0x0] =	sbarrier.arrive $0xFFFF  }
0xd4: {  	[hbm:s16], [sflag:s4] =	dma.local [spmem:s5], $0xA00  }
0xd5: {  	_ =	swait.ge [sflag:s25], $0xA00  }
0xd6: {  	s24 =	sadd.s32 $0x1, s24;
	[sflag:s25] =	ssyncset.done $0x0  }
0xd7: {  	p1 =	sne.s32 s24, s18;
	s5 =	sshrl.u32 @!p0 s3, $0x3;
	[sflag:s25] =	ssyncadd.s32 $0xFFFFF600  }
0xd8: {  	[hbm:s17], [sflag:s4] =	dma.local @!p0 [spmem:s5], $0x500  }
.Ltmp3:
0xd9: {  	_ = 	snop;
	(pc) =	sbr.rel @p1 .LBB2_1-.Ltmp3, $4  }
0xda: {  	s4 =	simm.s32 @!p0 $0x4  }
0xdb: {  	_ =	swait.ge @!p0 [sflag:s4], $0x500  }
0xdc: {  	[sflag:s4] =	ssyncset.done @!p0 $0x0  }
0xdd: {  	[sflag:s4] =	ssyncadd.s32 @!p0 $0xFFFFFB00  }
0xde: {  	_ =	sfence.sel $0x180000  }
0xdf: {  	[bflag:$0x0] =	sbarrier.arrive $0xFFFF  }
0xe0: {  	_ =	strace $0x90000047  }
0xe1: {  	[bflag:$0x2] =	sbarrier.arrive $0xFFFF  }
0xe2: {  	s0 =	rddreg [dreg:$0x4]  }
0xe3: {  	s0 =	sadd.s32 @!p0 $0x100000, s0  }
0xe4: {  	[sflag:s0] =	ssyncadd.tile.s32 @!p0 $0x1;
	_ =	shalt  }
.Lfunc_end2:
_tile_overlayer_lowered:
.L_overlay_start_2:
0xe5: {  	(tag) =	ssettag $0x2  }
0xe6: {  	s0 =	rddreg [dreg:$0x0];
	s2 =	stileid.u32  }
0xe7: {  	s1 =	rddreg [dreg:$0x1];
	p0 =	sne.s32 s2, $0x0  }
0xe8: {  	s3 =	rddreg [dreg:$0x2];
	[bflag:$0x3] =	sbarrier.arrive $0xFFFF;
	s2 =	simm.s32 @!p0 $0x1C04  }
0xe9: {  	[timem:s3], [sflag:s2] =	dma.local @!p0 [hbm:s0], s1  }
0xea: {  	s0 =	simm.s32 @!p0 $0x4  }
0xeb: {  	_ =	swait.ge @!p0 [sflag:s0], s1  }
0xec: {  	s1 =	ssub.s32 @!p0 $0x0, s1;
	[sflag:s0] =	ssyncset.done @!p0 $0x0  }
0xed: {  	[sflag:s0] =	ssyncadd.s32 @!p0 s1  }
0xee: {  	[bflag:$0x3] =	sbarrier.arrive $0xFFFF  }
0xef: {  	_ =	shalt  }

</sc_bundles>
